<compile_context>
chip_gen: v7x
topology: tpu7x:2x2x1
jax: 0.10.2.dev20260603
libtpu: 0.0.44.dev20260713+nightly
codegen_flags: <defaults>
</compile_context>

<pallas_src>
import functools

import jax
import jax.numpy as jnp
from jax import lax
from jax.experimental import pallas as pl
from jax.experimental.pallas import tpu as pltpu
from jax.experimental.pallas import tpu_sc as plsc

N_NODES = 10000
N_EDGES = 320000
IN_DIM = 128
OUT_DIM = 64

NC = 2
NS = 16
NW = NC * NS
CHUNK = 128
N_WIN = N_EDGES // CHUNK
W_BASE = N_WIN // NW
W_EXTRA = N_WIN - W_BASE * NW
W_MAX = W_BASE + 1
NB = 4
N_PAD = 10240
ACC_PER_TILE = N_PAD // NS
OUT_CHUNK = 80


def _mm_tanh_body(feat_ref, feab_ref, w_ref, nf_ref, u1_ref):
    x = jnp.concatenate([feat_ref[...], feab_ref[...]], axis=1)
    nfp = jnp.dot(x, w_ref[...], preferred_element_type=jnp.float32)
    nf_ref[...] = nfp
    u1_ref[...] = jnp.tanh(nfp)


def _epilogue_body(part_ref, nf_ref, w1_ref, w2_ref, out_ref):
    m = part_ref[0] + part_ref[1]
    h = jnp.maximum(jnp.dot(m, w1_ref[...], preferred_element_type=jnp.float32), 0.0)
    h = jnp.maximum(jnp.dot(h, w2_ref[...], preferred_element_type=jnp.float32), 0.0)
    o = jnp.tanh(nf_ref[...] + h)
    out_ref[0] = o[:, :OUT_DIM]
    out_ref[1] = o[:, OUT_DIM:]


def _sc_segment_sum_body(u1_hbm, idx_hbm, out_hbm,
                         src_idx, dst_idx, rows, zbuf, acc_sh,
                         g_sems, rb_sems):
    cid = lax.axis_index("c")
    sid = lax.axis_index("s")
    wid = sid * NC + cid
    acc_base = sid * ACC_PER_TILE

    start = W_BASE * wid + jnp.maximum(0, wid - (NW - W_EXTRA))
    trips = W_BASE + jnp.where(wid >= NW - W_EXTRA, 1, 0)
    pltpu.sync_copy(idx_hbm.at[0, pl.ds(start, W_MAX)], src_idx)
    pltpu.sync_copy(idx_hbm.at[1, pl.ds(start, W_MAX)], dst_idx)

    for b in range(NB):
        pltpu.async_copy(u1_hbm.at[src_idx.at[b]], rows.at[b], g_sems.at[b])

    def _zero(i, carry):
        zbuf[i // (OUT_DIM // 16), pl.ds((i % (OUT_DIM // 16)) * 16, 16)] = (
            jnp.zeros((16,), jnp.float32))
        return carry
    lax.fori_loop(0, CHUNK * (OUT_DIM // 16), _zero, 0)
    for c in range(ACC_PER_TILE // CHUNK):
        pltpu.sync_copy(zbuf, acc_sh.at[pl.ds(acc_base + c * CHUNK, CHUNK)])
    plsc.subcore_barrier()

    def _step(g, b):
        pltpu.make_async_copy(u1_hbm.at[src_idx.at[b]], rows.at[b],
                              g_sems.at[b]).wait()
        pltpu.sync_copy(rows.at[b], acc_sh.at[dst_idx.at[g]], add=True)
        nxt = g + NB

        @pl.when(nxt < trips)
        def _():
            pltpu.async_copy(u1_hbm.at[src_idx.at[nxt]], rows.at[b], g_sems.at[b])

    def _outer(o, carry):
        for b in range(NB):
            _step(o * NB + b, b)
        return carry
    body_windows = (W_BASE // NB) * NB
    lax.fori_loop(0, W_BASE // NB, _outer, 0)
    for t in range(body_windows, W_MAX):

        @pl.when(t < trips)
        def _():
            _step(t, t % NB)

    plsc.subcore_barrier()
    n_out = jnp.minimum(ACC_PER_TILE,
                        jnp.maximum(0, N_NODES - acc_base)) // OUT_CHUNK

    def _rb_pair(p, carry):
        for s in range(2):
            c = 2 * p + s

            @pl.when(c < n_out)
            def _():
                @pl.when(c >= 2)
                def _():
                    prev = acc_base + (c - 2) * OUT_CHUNK
                    pltpu.make_async_copy(
                        rows.at[s, pl.ds(0, OUT_CHUNK)],
                        out_hbm.at[cid, pl.ds(prev, OUT_CHUNK)],
                        rb_sems.at[s]).wait()
                off = acc_base + c * OUT_CHUNK
                pltpu.sync_copy(acc_sh.at[pl.ds(off, OUT_CHUNK)],
                                rows.at[s, pl.ds(0, OUT_CHUNK)])
                pltpu.async_copy(rows.at[s, pl.ds(0, OUT_CHUNK)],
                                 out_hbm.at[cid, pl.ds(off, OUT_CHUNK)],
                                 rb_sems.at[s])
        return carry
    lax.fori_loop(0, (ACC_PER_TILE // OUT_CHUNK + 1) // 2, _rb_pair, 0)
    for s in range(2):
        pltpu.make_async_copy(rows.at[s, pl.ds(0, OUT_CHUNK)],
                              out_hbm.at[cid, pl.ds(acc_base, OUT_CHUNK)],
                              rb_sems.at[s]).wait()


def _sc_segment_sum(u1, idx3d):
    mesh = plsc.VectorSubcoreMesh(core_axis_name="c", subcore_axis_name="s")
    k = functools.partial(
        pl.kernel,
        out_type=jax.ShapeDtypeStruct((NC, N_NODES, OUT_DIM), jnp.float32),
        mesh=mesh,
        compiler_params=pltpu.CompilerParams(use_tc_tiling_on_sc=False),
        scratch_types=[
            pltpu.VMEM((W_MAX, CHUNK), jnp.int32),
            pltpu.VMEM((W_MAX, CHUNK), jnp.int32),
            pltpu.VMEM((NB, CHUNK, OUT_DIM), jnp.float32),
            pltpu.VMEM((CHUNK, OUT_DIM), jnp.float32),
            pltpu.VMEM_SHARED((N_PAD, OUT_DIM), jnp.float32),
            pltpu.SemaphoreType.DMA((NB,)),
            pltpu.SemaphoreType.DMA((2,)),
        ],
    )(_sc_segment_sum_body)
    return k(u1, idx3d)


HALF = N_NODES // 2
PAIR = 2 * OUT_DIM


@jax.jit
def kernel(fea, edge_index, W_lin, W_d1, W_d2):
    ei = edge_index.astype(jnp.int32)
    idx3d = jnp.where(ei < HALF, 2 * ei,
                      2 * ei - (N_NODES - 1)).reshape(2, N_WIN, CHUNK)

    z = jnp.zeros((IN_DIM, OUT_DIM), jnp.float32)
    bd_lin = jnp.block([[W_lin, z], [z, W_lin]])
    z = jnp.zeros((OUT_DIM, OUT_DIM), jnp.float32)
    bd_d1 = jnp.block([[W_d1, z], [z, W_d1]])
    bd_d2 = jnp.block([[W_d2, z], [z, W_d2]])

    rb = 1000
    nfp, u1p = pl.pallas_call(
        _mm_tanh_body,
        grid=(HALF // rb,),
        in_specs=[
            pl.BlockSpec((rb, IN_DIM), lambda i: (i, 0)),
            pl.BlockSpec((rb, IN_DIM), lambda i: (i + HALF // rb, 0)),
            pl.BlockSpec((2 * IN_DIM, PAIR), lambda i: (0, 0)),
        ],
        out_specs=[
            pl.BlockSpec((rb, PAIR), lambda i: (i, 0)),
            pl.BlockSpec((rb, PAIR), lambda i: (i, 0)),
        ],
        out_shape=[jax.ShapeDtypeStruct((HALF, PAIR), jnp.float32)] * 2,
    )(fea, fea, bd_lin)

    partials = _sc_segment_sum(u1p.reshape(N_NODES, OUT_DIM), idx3d)

    out = pl.pallas_call(
        _epilogue_body,
        grid=(HALF // rb,),
        in_specs=[
            pl.BlockSpec((NC, rb, PAIR), lambda i: (0, i, 0)),
            pl.BlockSpec((rb, PAIR), lambda i: (i, 0)),
            pl.BlockSpec((PAIR, PAIR), lambda i: (0, 0)),
            pl.BlockSpec((PAIR, PAIR), lambda i: (0, 0)),
        ],
        out_specs=pl.BlockSpec((2, rb, OUT_DIM), lambda i: (0, i, 0)),
        out_shape=jax.ShapeDtypeStruct((2, HALF, OUT_DIM), jnp.float32),
    )(partials.reshape(NC, HALF, PAIR), nfp, bd_d1, bd_d2)
    return out.reshape(N_NODES, OUT_DIM)

# --- scband reference (transcript-rebuilt; emitter-appended) ---
"""Pipeline reference for scband-structure2vec-61701500175280 (READ-ONLY COPY).

The authoritative reference and input builder live on the scoring server;
editing this copy changes nothing except your own understanding.
"""

import jax, jax.numpy as jnp
import numpy as np

N_NODES = 10000
N_EDGES = 320000
IN_DIM = 128
OUT_DIM = 64
ITER_ROUNDS = 2


def setup_inputs(seed: int = 0) -> dict:
    key = jax.random.key(seed)
    k1, k2, k3, k4, k5 = jax.random.split(key, 5)
    fea = jax.random.normal(k1, (N_NODES, IN_DIM), dtype=jnp.float32)
    edge_index = jax.random.randint(k2, (2, N_EDGES), 0, N_NODES)
    # learned params (no bias anywhere per init_kwargs)
    W_lin = jax.random.normal(k3, (IN_DIM, OUT_DIM), dtype=jnp.float32) * (1.0 / np.sqrt(IN_DIM))
    W_d1 = jax.random.normal(k4, (OUT_DIM, OUT_DIM), dtype=jnp.float32) * (1.0 / np.sqrt(OUT_DIM))
    W_d2 = jax.random.normal(k5, (OUT_DIM, OUT_DIM), dtype=jnp.float32) * (1.0 / np.sqrt(OUT_DIM))
    return {"fea": fea, "edge_index": edge_index, "W_lin": W_lin, "W_d1": W_d1, "W_d2": W_d2}


def reference(fea, edge_index, W_lin, W_d1, W_d2):
    src = edge_index[0]
    dst = edge_index[1]
    n = fea.shape[0]
    # node_features = self.linear(fea)  (bias=False)
    node_features = fea @ W_lin
    # u_i^0 = 0
    u = jnp.zeros((n, W_lin.shape[1]), dtype=fea.dtype)
    for _ in range(ITER_ROUNDS):
        # graph.update_all(copy_src('u','m'), sum('m','m')): m[dst] += u[src]
        msgs = jnp.take(u, src, axis=0)
        m = jax.ops.segment_sum(msgs, dst, num_segments=n)
        # dense: 2 layers, relu activation, no bias
        h = jax.nn.relu(m @ W_d1)
        h = jax.nn.relu(h @ W_d2)
        # u = tanh(node_features + dense(m))
        u = jnp.tanh(node_features + h)
    return u

if __name__ == "__main__":
    import jax
    _d = setup_inputs()
    print(jax.jit(kernel)(*tuple(_d.values())))

</pallas_src>

<mosaic_0001>
#map = affine_map<(d0, d1) -> (0, 0)>
#map1 = affine_map<(d0, d1) -> (0, 0, 0)>
module attributes {stable_mosaic.version = 14 : i64} {
  func.func @_sc_segment_sum_body(%arg0: i32, %arg1: i32, %arg2: memref<10000x64xf32, #tpu.memory_space<hbm>>, %arg3: memref<2x2500x128xi32, #tpu.memory_space<hbm>>, %arg4: memref<2x10000x64xf32, #tpu.memory_space<hbm>>, %arg5: memref<79x128xi32, #tpu.memory_space<vmem>>, %arg6: memref<79x128xi32, #tpu.memory_space<vmem>>, %arg7: memref<4x128x64xf32, #tpu.memory_space<vmem>>, %arg8: memref<128x64xf32, #tpu.memory_space<vmem>>, %arg9: memref<10240x64xf32, #tpu.memory_space<vmem_shared>>, %arg10: memref<4x!tpu.dma_semaphore, #tpu.memory_space<semaphore_mem>>, %arg11: memref<2x!tpu.dma_semaphore, #tpu.memory_space<semaphore_mem>>) attributes {dimension_semantics = [#tpu.dimension_semantics<core_parallel>, #tpu.dimension_semantics<subcore_parallel>], iteration_bounds = array<i64: 2, 16>, scalar_prefetch = 0 : i64, scratch_operands = 7 : i64, tpu.core_type = #tpu.core_type<sc_vector_subcore>, window_params = [{transform_indices = #map}, {transform_indices = #map1}, {transform_indices = #map1}]} {
    %mul3A = arith.constant 2 : i32
    %mul3A_0 = arith.muli %arg1, %mul3A : i32
    %add3A = arith.addi %mul3A_0, %arg0 : i32
    %mul3A_1 = arith.constant 640 : i32
    %mul3A_2 = arith.muli %arg1, %mul3A_1 : i32
    %mul3A_3 = arith.constant 78 : i32
    %mul3A_4 = arith.muli %mul3A_3, %add3A : i32
    %sub3A = arith.constant 28 : i32
    %sub3A_5 = arith.subi %add3A, %sub3A : i32
    %max3A = arith.constant 0 : i32
    %max3A_6 = arith.maxsi %max3A, %sub3A_5 : i32
    %add3A_7 = arith.addi %mul3A_4, %max3A_6 : i32
    %ge3A = arith.constant 28 : i32
    %ge3A_8 = arith.cmpi sge, %add3A, %ge3A : i32
    %jit3A = arith.constant 1 : i32
    %jit3A_9 = arith.constant 0 : i32
    %select_n3A = arith.select %ge3A_8, %jit3A, %jit3A_9 : i32
    %add3A_10 = arith.constant 78 : i32
    %add3A_11 = arith.addi %add3A_10, %select_n3A : i32
    %run_scoped3A = arith.constant 0 : i32
    "tpu.region"() ({
      %run_scoped3A_171 = tpu.sem_alloc : memref<!tpu.dma_semaphore, #tpu.memory_space<semaphore_mem>>
      %dma_start3A_172 = arith.constant 0 : i32
      %dma_start3A_173 = tpu.memref_slice %arg3[%run_scoped3A, %add3A_7, %dma_start3A_172] : memref<2x2500x128xi32, #tpu.memory_space<hbm>> -> memref<1x79x128xi32, #tpu.memory_space<hbm>>
      %dma_start3A_174 = tpu.memref_squeeze %dma_start3A_173 : memref<1x79x128xi32, #tpu.memory_space<hbm>> -> memref<79x128xi32, #tpu.memory_space<hbm>>
      %dma_start3A_175 = arith.constant 0 : i32
      %dma_start3A_176 = tpu.memref_slice %arg3[%run_scoped3A, %add3A_7, %dma_start3A_175] : memref<2x2500x128xi32, #tpu.memory_space<hbm>> -> memref<1x79x128xi32, #tpu.memory_space<hbm>>
      %dma_start3A_177 = tpu.memref_squeeze %dma_start3A_176 : memref<1x79x128xi32, #tpu.memory_space<hbm>> -> memref<79x128xi32, #tpu.memory_space<hbm>>
      tpu.enqueue_dma source(%dma_start3A_177 : memref<79x128xi32, #tpu.memory_space<hbm>>) target(%arg5 : memref<79x128xi32, #tpu.memory_space<vmem>>) target_semaphore(%run_scoped3A_171 : memref<!tpu.dma_semaphore, #tpu.memory_space<semaphore_mem>>)
      %dma_wait3A_178 = arith.constant 0 : i32
      %dma_wait3A_179 = tpu.memref_slice %arg3[%run_scoped3A, %add3A_7, %dma_wait3A_178] : memref<2x2500x128xi32, #tpu.memory_space<hbm>> -> memref<1x79x128xi32, #tpu.memory_space<hbm>>
      %dma_wait3A_180 = tpu.memref_squeeze %dma_wait3A_179 : memref<1x79x128xi32, #tpu.memory_space<hbm>> -> memref<79x128xi32, #tpu.memory_space<hbm>>
      %dma_wait3A_181 = arith.constant 0 : i32
      %dma_wait3A_182 = tpu.memref_slice %arg3[%run_scoped3A, %add3A_7, %dma_wait3A_181] : memref<2x2500x128xi32, #tpu.memory_space<hbm>> -> memref<1x79x128xi32, #tpu.memory_space<hbm>>
      %dma_wait3A_183 = tpu.memref_squeeze %dma_wait3A_182 : memref<1x79x128xi32, #tpu.memory_space<hbm>> -> memref<79x128xi32, #tpu.memory_space<hbm>>
      tpu.wait_dma2 semaphore(%run_scoped3A_171 : memref<!tpu.dma_semaphore, #tpu.memory_space<semaphore_mem>>) src(%dma_wait3A_183 : memref<79x128xi32, #tpu.memory_space<hbm>>) dst(%arg5 : memref<79x128xi32, #tpu.memory_space<vmem>>)
      tpu.yield
    }) : () -> ()
    %run_scoped3A_12 = arith.constant 1 : i32
    "tpu.region"() ({
      %run_scoped3A_171 = tpu.sem_alloc : memref<!tpu.dma_semaphore, #tpu.memory_space<semaphore_mem>>
      %dma_start3A_172 = arith.constant 0 : i32
      %dma_start3A_173 = tpu.memref_slice %arg3[%run_scoped3A_12, %add3A_7, %dma_start3A_172] : memref<2x2500x128xi32, #tpu.memory_space<hbm>> -> memref<1x79x128xi32, #tpu.memory_space<hbm>>
      %dma_start3A_174 = tpu.memref_squeeze %dma_start3A_173 : memref<1x79x128xi32, #tpu.memory_space<hbm>> -> memref<79x128xi32, #tpu.memory_space<hbm>>
      %dma_start3A_175 = arith.constant 0 : i32
      %dma_start3A_176 = tpu.memref_slice %arg3[%run_scoped3A_12, %add3A_7, %dma_start3A_175] : memref<2x2500x128xi32, #tpu.memory_space<hbm>> -> memref<1x79x128xi32, #tpu.memory_space<hbm>>
      %dma_start3A_177 = tpu.memref_squeeze %dma_start3A_176 : memref<1x79x128xi32, #tpu.memory_space<hbm>> -> memref<79x128xi32, #tpu.memory_space<hbm>>
      tpu.enqueue_dma source(%dma_start3A_177 : memref<79x128xi32, #tpu.memory_space<hbm>>) target(%arg6 : memref<79x128xi32, #tpu.memory_space<vmem>>) target_semaphore(%run_scoped3A_171 : memref<!tpu.dma_semaphore, #tpu.memory_space<semaphore_mem>>)
      %dma_wait3A_178 = arith.constant 0 : i32
      %dma_wait3A_179 = tpu.memref_slice %arg3[%run_scoped3A_12, %add3A_7, %dma_wait3A_178] : memref<2x2500x128xi32, #tpu.memory_space<hbm>> -> memref<1x79x128xi32, #tpu.memory_space<hbm>>
      %dma_wait3A_180 = tpu.memref_squeeze %dma_wait3A_179 : memref<1x79x128xi32, #tpu.memory_space<hbm>> -> memref<79x128xi32, #tpu.memory_space<hbm>>
      %dma_wait3A_181 = arith.constant 0 : i32
      %dma_wait3A_182 = tpu.memref_slice %arg3[%run_scoped3A_12, %add3A_7, %dma_wait3A_181] : memref<2x2500x128xi32, #tpu.memory_space<hbm>> -> memref<1x79x128xi32, #tpu.memory_space<hbm>>
      %dma_wait3A_183 = tpu.memref_squeeze %dma_wait3A_182 : memref<1x79x128xi32, #tpu.memory_space<hbm>> -> memref<79x128xi32, #tpu.memory_space<hbm>>
      tpu.wait_dma2 semaphore(%run_scoped3A_171 : memref<!tpu.dma_semaphore, #tpu.memory_space<semaphore_mem>>) src(%dma_wait3A_183 : memref<79x128xi32, #tpu.memory_space<hbm>>) dst(%arg6 : memref<79x128xi32, #tpu.memory_space<vmem>>)
      tpu.yield
    }) : () -> ()
    %dma_start3A = arith.constant 0 : i32
    %dma_start3A_13 = arith.constant 0 : i32
    %dma_start3A_14 = arith.constant 0 : i32
    %dma_start3A_15 = arith.constant 0 : i32
    %dma_start3A_16 = arith.constant 0 : i32
    %dma_start3A_17 = tpu.memref_slice %arg7[%dma_start3A_13, %dma_start3A_15, %dma_start3A_16] : memref<4x128x64xf32, #tpu.memory_space<vmem>> -> memref<1x128x64xf32, #tpu.memory_space<vmem>>
    %dma_start3A_18 = tpu.memref_squeeze %dma_start3A_17 : memref<1x128x64xf32, #tpu.memory_space<vmem>> -> memref<128x64xf32, #tpu.memory_space<vmem>>
    %dma_start3A_19 = arith.constant 0 : i32
    %dma_start3A_20 = tpu.memref_slice %arg5[%dma_start3A, %dma_start3A_19] : memref<79x128xi32, #tpu.memory_space<vmem>> -> memref<1x128xi32, #tpu.memory_space<vmem>>
    %dma_start3A_21 = tpu.memref_squeeze %dma_start3A_20 : memref<1x128xi32, #tpu.memory_space<vmem>> -> memref<128xi32, #tpu.memory_space<vmem>>
    %dma_start3A_22 = arith.constant 0 : i32
    %dma_start3A_23 = arith.constant 0 : i32
    %dma_start3A_24 = tpu.memref_slice %arg2[%dma_start3A_22, %dma_start3A_23] : memref<10000x64xf32, #tpu.memory_space<hbm>> -> memref<10000x64xf32, #tpu.memory_space<hbm>>
    %dma_start3A_25 = tpu.memref_slice %arg10[%dma_start3A_14] : memref<4x!tpu.dma_semaphore, #tpu.memory_space<semaphore_mem>> -> memref<1x!tpu.dma_semaphore, #tpu.memory_space<semaphore_mem>>
    %dma_start3A_26 = tpu.memref_squeeze %dma_start3A_25 : memref<1x!tpu.dma_semaphore, #tpu.memory_space<semaphore_mem>> -> memref<!tpu.dma_semaphore, #tpu.memory_space<semaphore_mem>>
    tpu.enqueue_indirect_dma source(%dma_start3A_24 : memref<10000x64xf32, #tpu.memory_space<hbm>>) target(%dma_start3A_18 : memref<128x64xf32, #tpu.memory_space<vmem>>) offsets(%dma_start3A_21 : memref<128xi32, #tpu.memory_space<vmem>>) semaphore(%dma_start3A_26 : memref<!tpu.dma_semaphore, #tpu.memory_space<semaphore_mem>>)
    %dma_start3A_27 = arith.constant 1 : i32
    %dma_start3A_28 = arith.constant 1 : i32
    %dma_start3A_29 = arith.constant 1 : i32
    %dma_start3A_30 = arith.constant 0 : i32
    %dma_start3A_31 = arith.constant 0 : i32
    %dma_start3A_32 = tpu.memref_slice %arg7[%dma_start3A_28, %dma_start3A_30, %dma_start3A_31] : memref<4x128x64xf32, #tpu.memory_space<vmem>> -> memref<1x128x64xf32, #tpu.memory_space<vmem>>
    %dma_start3A_33 = tpu.memref_squeeze %dma_start3A_32 : memref<1x128x64xf32, #tpu.memory_space<vmem>> -> memref<128x64xf32, #tpu.memory_space<vmem>>
    %dma_start3A_34 = arith.constant 0 : i32
    %dma_start3A_35 = tpu.memref_slice %arg5[%dma_start3A_27, %dma_start3A_34] : memref<79x128xi32, #tpu.memory_space<vmem>> -> memref<1x128xi32, #tpu.memory_space<vmem>>
    %dma_start3A_36 = tpu.memref_squeeze %dma_start3A_35 : memref<1x128xi32, #tpu.memory_space<vmem>> -> memref<128xi32, #tpu.memory_space<vmem>>
    %dma_start3A_37 = arith.constant 0 : i32
    %dma_start3A_38 = arith.constant 0 : i32
    %dma_start3A_39 = tpu.memref_slice %arg2[%dma_start3A_37, %dma_start3A_38] : memref<10000x64xf32, #tpu.memory_space<hbm>> -> memref<10000x64xf32, #tpu.memory_space<hbm>>
    %dma_start3A_40 = tpu.memref_slice %arg10[%dma_start3A_29] : memref<4x!tpu.dma_semaphore, #tpu.memory_space<semaphore_mem>> -> memref<1x!tpu.dma_semaphore, #tpu.memory_space<semaphore_mem>>
    %dma_start3A_41 = tpu.memref_squeeze %dma_start3A_40 : memref<1x!tpu.dma_semaphore, #tpu.memory_space<semaphore_mem>> -> memref<!tpu.dma_semaphore, #tpu.memory_space<semaphore_mem>>
    tpu.enqueue_indirect_dma source(%dma_start3A_39 : memref<10000x64xf32, #tpu.memory_space<hbm>>) target(%dma_start3A_33 : memref<128x64xf32, #tpu.memory_space<vmem>>) offsets(%dma_start3A_36 : memref<128xi32, #tpu.memory_space<vmem>>) semaphore(%dma_start3A_41 : memref<!tpu.dma_semaphore, #tpu.memory_space<semaphore_mem>>)
    %dma_start3A_42 = arith.constant 2 : i32
    %dma_start3A_43 = arith.constant 2 : i32
    %dma_start3A_44 = arith.constant 2 : i32
    %dma_start3A_45 = arith.constant 0 : i32
    %dma_start3A_46 = arith.constant 0 : i32
    %dma_start3A_47 = tpu.memref_slice %arg7[%dma_start3A_43, %dma_start3A_45, %dma_start3A_46] : memref<4x128x64xf32, #tpu.memory_space<vmem>> -> memref<1x128x64xf32, #tpu.memory_space<vmem>>
    %dma_start3A_48 = tpu.memref_squeeze %dma_start3A_47 : memref<1x128x64xf32, #tpu.memory_space<vmem>> -> memref<128x64xf32, #tpu.memory_space<vmem>>
    %dma_start3A_49 = arith.constant 0 : i32
    %dma_start3A_50 = tpu.memref_slice %arg5[%dma_start3A_42, %dma_start3A_49] : memref<79x128xi32, #tpu.memory_space<vmem>> -> memref<1x128xi32, #tpu.memory_space<vmem>>
    %dma_start3A_51 = tpu.memref_squeeze %dma_start3A_50 : memref<1x128xi32, #tpu.memory_space<vmem>> -> memref<128xi32, #tpu.memory_space<vmem>>
    %dma_start3A_52 = arith.constant 0 : i32
    %dma_start3A_53 = arith.constant 0 : i32
    %dma_start3A_54 = tpu.memref_slice %arg2[%dma_start3A_52, %dma_start3A_53] : memref<10000x64xf32, #tpu.memory_space<hbm>> -> memref<10000x64xf32, #tpu.memory_space<hbm>>
    %dma_start3A_55 = tpu.memref_slice %arg10[%dma_start3A_44] : memref<4x!tpu.dma_semaphore, #tpu.memory_space<semaphore_mem>> -> memref<1x!tpu.dma_semaphore, #tpu.memory_space<semaphore_mem>>
    %dma_start3A_56 = tpu.memref_squeeze %dma_start3A_55 : memref<1x!tpu.dma_semaphore, #tpu.memory_space<semaphore_mem>> -> memref<!tpu.dma_semaphore, #tpu.memory_space<semaphore_mem>>
    tpu.enqueue_indirect_dma source(%dma_start3A_54 : memref<10000x64xf32, #tpu.memory_space<hbm>>) target(%dma_start3A_48 : memref<128x64xf32, #tpu.memory_space<vmem>>) offsets(%dma_start3A_51 : memref<128xi32, #tpu.memory_space<vmem>>) semaphore(%dma_start3A_56 : memref<!tpu.dma_semaphore, #tpu.memory_space<semaphore_mem>>)
    %dma_start3A_57 = arith.constant 3 : i32
    %dma_start3A_58 = arith.constant 3 : i32
    %dma_start3A_59 = arith.constant 3 : i32
    %dma_start3A_60 = arith.constant 0 : i32
    %dma_start3A_61 = arith.constant 0 : i32
    %dma_start3A_62 = tpu.memref_slice %arg7[%dma_start3A_58, %dma_start3A_60, %dma_start3A_61] : memref<4x128x64xf32, #tpu.memory_space<vmem>> -> memref<1x128x64xf32, #tpu.memory_space<vmem>>
    %dma_start3A_63 = tpu.memref_squeeze %dma_start3A_62 : memref<1x128x64xf32, #tpu.memory_space<vmem>> -> memref<128x64xf32, #tpu.memory_space<vmem>>
    %dma_start3A_64 = arith.constant 0 : i32
    %dma_start3A_65 = tpu.memref_slice %arg5[%dma_start3A_57, %dma_start3A_64] : memref<79x128xi32, #tpu.memory_space<vmem>> -> memref<1x128xi32, #tpu.memory_space<vmem>>
    %dma_start3A_66 = tpu.memref_squeeze %dma_start3A_65 : memref<1x128xi32, #tpu.memory_space<vmem>> -> memref<128xi32, #tpu.memory_space<vmem>>
    %dma_start3A_67 = arith.constant 0 : i32
    %dma_start3A_68 = arith.constant 0 : i32
    %dma_start3A_69 = tpu.memref_slice %arg2[%dma_start3A_67, %dma_start3A_68] : memref<10000x64xf32, #tpu.memory_space<hbm>> -> memref<10000x64xf32, #tpu.memory_space<hbm>>
    %dma_start3A_70 = tpu.memref_slice %arg10[%dma_start3A_59] : memref<4x!tpu.dma_semaphore, #tpu.memory_space<semaphore_mem>> -> memref<1x!tpu.dma_semaphore, #tpu.memory_space<semaphore_mem>>
    %dma_start3A_71 = tpu.memref_squeeze %dma_start3A_70 : memref<1x!tpu.dma_semaphore, #tpu.memory_space<semaphore_mem>> -> memref<!tpu.dma_semaphore, #tpu.memory_space<semaphore_mem>>
    tpu.enqueue_indirect_dma source(%dma_start3A_69 : memref<10000x64xf32, #tpu.memory_space<hbm>>) target(%dma_start3A_63 : memref<128x64xf32, #tpu.memory_space<vmem>>) offsets(%dma_start3A_66 : memref<128xi32, #tpu.memory_space<vmem>>) semaphore(%dma_start3A_71 : memref<!tpu.dma_semaphore, #tpu.memory_space<semaphore_mem>>)
    %scan3A = arith.constant 0 : i32
    %scan3A_72 = arith.constant 0 : i32
    %scan3A_73 = arith.constant 512 : i32
    %scan3A_74 = arith.addi %scan3A_72, %scan3A_73 : i32
    %scan3A_75 = arith.constant 1 : i32
    scf.for %scan3A_171 = %scan3A_72 to %scan3A_74 step %scan3A_75  : i32 {
      %broadcast_in_dim3A = arith.constant 0.000000e+00 : f32
      %broadcast_in_dim3A_172 = vector.broadcast %broadcast_in_dim3A : f32 to vector<16xf32>
      %jit3A_173 = arith.constant 4 : i32
      %div3A_174 = arith.divsi %scan3A_171, %jit3A_173 : i32
      %sign3A_175 = arith.constant 0 : i32
      %sign3A_176 = arith.cmpi sgt, %scan3A_171, %sign3A_175 : i32
      %sign3A_177 = arith.extui %sign3A_176 : i1 to i32
      %sign3A_178 = arith.constant 0 : i32
      %sign3A_179 = arith.cmpi slt, %scan3A_171, %sign3A_178 : i32
      %sign3A_180 = arith.extui %sign3A_179 : i1 to i32
      %sign3A_181 = arith.subi %sign3A_177, %sign3A_180 : i32
      %sign3A_182 = arith.constant 0 : i32
      %sign3A_183 = arith.cmpi sgt, %jit3A_173, %sign3A_182 : i32
      %sign3A_184 = arith.extui %sign3A_183 : i1 to i32
      %sign3A_185 = arith.constant 0 : i32
      %sign3A_186 = arith.cmpi slt, %jit3A_173, %sign3A_185 : i32
      %sign3A_187 = arith.extui %sign3A_186 : i1 to i32
      %sign3A_188 = arith.subi %sign3A_184, %sign3A_187 : i32
      %ne3A_189 = arith.cmpi ne, %sign3A_181, %sign3A_188 : i32
      %rem3A_190 = arith.remsi %scan3A_171, %jit3A_173 : i32
      %ne3A_191 = arith.constant 0 : i32
      %ne3A_192 = arith.cmpi ne, %rem3A_190, %ne3A_191 : i32
      %and3A_193 = arith.andi %ne3A_189, %ne3A_192 : i1
      %sub3A_194 = arith.constant 1 : i32
      %sub3A_195 = arith.subi %div3A_174, %sub3A_194 : i32
      %select_n3A_196 = arith.select %and3A_193, %sub3A_195, %div3A_174 : i32
      %jit3A_197 = arith.constant 4 : i32
      %eq3A = arith.constant 0 : i32
      %eq3A_198 = arith.cmpi eq, %jit3A_197, %eq3A : i32
      %jit3A_199 = arith.constant 1 : i32
      %select_n3A_200 = arith.select %eq3A_198, %jit3A_199, %jit3A_197 : i32
      %rem3A_201 = arith.remsi %scan3A_171, %select_n3A_200 : i32
      %ne3A_202 = arith.constant 0 : i32
      %ne3A_203 = arith.cmpi ne, %rem3A_201, %ne3A_202 : i32
      %lt3A = arith.constant 0 : i32
      %lt3A_204 = arith.cmpi slt, %rem3A_201, %lt3A : i32
      %lt3A_205 = arith.constant 0 : i32
      %lt3A_206 = arith.cmpi slt, %select_n3A_200, %lt3A_205 : i32
      %ne3A_207 = arith.xori %lt3A_204, %lt3A_206 : i1
      %and3A_208 = arith.andi %ne3A_207, %ne3A_203 : i1
      %add3A_209 = arith.addi %rem3A_201, %select_n3A_200 : i32
      %select_n3A_210 = arith.select %and3A_208, %add3A_209, %rem3A_201 : i32
      %mul3A_211 = arith.constant 16 : i32
      %mul3A_212 = arith.muli %select_n3A_210, %mul3A_211 : i32
      %swap3A = arith.index_cast %select_n3A_196 : i32 to index
      %swap3A_213 = arith.index_cast %mul3A_212 : i32 to index
      %swap3A_214 = tpu.vector_load %arg8[%swap3A, %swap3A_213] {strides = array<i32>} : memref<128x64xf32, #tpu.memory_space<vmem>>, vector<1x16xf32>,
      %swap3A_215 = vector.shape_cast %swap3A_214 : vector<1x16xf32> to vector<16xf32>
      %swap3A_216 = vector.shape_cast %broadcast_in_dim3A_172 : vector<16xf32> to vector<1x16xf32>
      tpu.vector_store %arg8[%swap3A, %swap3A_213], %swap3A_216 {strides = array<i32>} : memref<128x64xf32, #tpu.memory_space<vmem>>, vector<1x16xf32>,
    }
    %scan3A_76 = arith.constant 512 : i32
    %add3A_77 = arith.constant 0 : i32
    %add3A_78 = arith.addi %mul3A_2, %add3A_77 : i32
    "tpu.region"() ({
      %run_scoped3A_171 = tpu.sem_alloc : memref<!tpu.dma_semaphore, #tpu.memory_space<semaphore_mem>>
      %dma_start3A_172 = arith.constant 0 : i32
      %dma_start3A_173 = tpu.memref_slice %arg9[%add3A_78, %dma_start3A_172] : memref<10240x64xf32, #tpu.memory_space<vmem_shared>> -> memref<128x64xf32, #tpu.memory_space<vmem_shared>>
      %dma_start3A_174 = arith.constant 0 : i32
      %dma_start3A_175 = tpu.memref_slice %arg9[%add3A_78, %dma_start3A_174] : memref<10240x64xf32, #tpu.memory_space<vmem_shared>> -> memref<128x64xf32, #tpu.memory_space<vmem_shared>>
      tpu.enqueue_dma source(%arg8 : memref<128x64xf32, #tpu.memory_space<vmem>>) target(%dma_start3A_175 : memref<128x64xf32, #tpu.memory_space<vmem_shared>>) target_semaphore(%run_scoped3A_171 : memref<!tpu.dma_semaphore, #tpu.memory_space<semaphore_mem>>)
      %dma_wait3A_176 = arith.constant 0 : i32
      %dma_wait3A_177 = tpu.memref_slice %arg9[%add3A_78, %dma_wait3A_176] : memref<10240x64xf32, #tpu.memory_space<vmem_shared>> -> memref<128x64xf32, #tpu.memory_space<vmem_shared>>
      %dma_wait3A_178 = arith.constant 0 : i32
      %dma_wait3A_179 = tpu.memref_slice %arg9[%add3A_78, %dma_wait3A_178] : memref<10240x64xf32, #tpu.memory_space<vmem_shared>> -> memref<128x64xf32, #tpu.memory_space<vmem_shared>>
      tpu.wait_dma2 semaphore(%run_scoped3A_171 : memref<!tpu.dma_semaphore, #tpu.memory_space<semaphore_mem>>) src(%arg8 : memref<128x64xf32, #tpu.memory_space<vmem>>) dst(%dma_wait3A_179 : memref<128x64xf32, #tpu.memory_space<vmem_shared>>)
      tpu.yield
    }) : () -> ()
    %add3A_79 = arith.constant 128 : i32
    %add3A_80 = arith.addi %mul3A_2, %add3A_79 : i32
    "tpu.region"() ({
      %run_scoped3A_171 = tpu.sem_alloc : memref<!tpu.dma_semaphore, #tpu.memory_space<semaphore_mem>>
      %dma_start3A_172 = arith.constant 0 : i32
      %dma_start3A_173 = tpu.memref_slice %arg9[%add3A_80, %dma_start3A_172] : memref<10240x64xf32, #tpu.memory_space<vmem_shared>> -> memref<128x64xf32, #tpu.memory_space<vmem_shared>>
      %dma_start3A_174 = arith.constant 0 : i32
      %dma_start3A_175 = tpu.memref_slice %arg9[%add3A_80, %dma_start3A_174] : memref<10240x64xf32, #tpu.memory_space<vmem_shared>> -> memref<128x64xf32, #tpu.memory_space<vmem_shared>>
      tpu.enqueue_dma source(%arg8 : memref<128x64xf32, #tpu.memory_space<vmem>>) target(%dma_start3A_175 : memref<128x64xf32, #tpu.memory_space<vmem_shared>>) target_semaphore(%run_scoped3A_171 : memref<!tpu.dma_semaphore, #tpu.memory_space<semaphore_mem>>)
      %dma_wait3A_176 = arith.constant 0 : i32
      %dma_wait3A_177 = tpu.memref_slice %arg9[%add3A_80, %dma_wait3A_176] : memref<10240x64xf32, #tpu.memory_space<vmem_shared>> -> memref<128x64xf32, #tpu.memory_space<vmem_shared>>
      %dma_wait3A_178 = arith.constant 0 : i32
      %dma_wait3A_179 = tpu.memref_slice %arg9[%add3A_80, %dma_wait3A_178] : memref<10240x64xf32, #tpu.memory_space<vmem_shared>> -> memref<128x64xf32, #tpu.memory_space<vmem_shared>>
      tpu.wait_dma2 semaphore(%run_scoped3A_171 : memref<!tpu.dma_semaphore, #tpu.memory_space<semaphore_mem>>) src(%arg8 : memref<128x64xf32, #tpu.memory_space<vmem>>) dst(%dma_wait3A_179 : memref<128x64xf32, #tpu.memory_space<vmem_shared>>)
      tpu.yield
    }) : () -> ()
    %add3A_81 = arith.constant 256 : i32
    %add3A_82 = arith.addi %mul3A_2, %add3A_81 : i32
    "tpu.region"() ({
      %run_scoped3A_171 = tpu.sem_alloc : memref<!tpu.dma_semaphore, #tpu.memory_space<semaphore_mem>>
      %dma_start3A_172 = arith.constant 0 : i32
      %dma_start3A_173 = tpu.memref_slice %arg9[%add3A_82, %dma_start3A_172] : memref<10240x64xf32, #tpu.memory_space<vmem_shared>> -> memref<128x64xf32, #tpu.memory_space<vmem_shared>>
      %dma_start3A_174 = arith.constant 0 : i32
      %dma_start3A_175 = tpu.memref_slice %arg9[%add3A_82, %dma_start3A_174] : memref<10240x64xf32, #tpu.memory_space<vmem_shared>> -> memref<128x64xf32, #tpu.memory_space<vmem_shared>>
      tpu.enqueue_dma source(%arg8 : memref<128x64xf32, #tpu.memory_space<vmem>>) target(%dma_start3A_175 : memref<128x64xf32, #tpu.memory_space<vmem_shared>>) target_semaphore(%run_scoped3A_171 : memref<!tpu.dma_semaphore, #tpu.memory_space<semaphore_mem>>)
      %dma_wait3A_176 = arith.constant 0 : i32
      %dma_wait3A_177 = tpu.memref_slice %arg9[%add3A_82, %dma_wait3A_176] : memref<10240x64xf32, #tpu.memory_space<vmem_shared>> -> memref<128x64xf32, #tpu.memory_space<vmem_shared>>
      %dma_wait3A_178 = arith.constant 0 : i32
      %dma_wait3A_179 = tpu.memref_slice %arg9[%add3A_82, %dma_wait3A_178] : memref<10240x64xf32, #tpu.memory_space<vmem_shared>> -> memref<128x64xf32, #tpu.memory_space<vmem_shared>>
      tpu.wait_dma2 semaphore(%run_scoped3A_171 : memref<!tpu.dma_semaphore, #tpu.memory_space<semaphore_mem>>) src(%arg8 : memref<128x64xf32, #tpu.memory_space<vmem>>) dst(%dma_wait3A_179 : memref<128x64xf32, #tpu.memory_space<vmem_shared>>)
      tpu.yield
    }) : () -> ()
    %add3A_83 = arith.constant 384 : i32
    %add3A_84 = arith.addi %mul3A_2, %add3A_83 : i32
    "tpu.region"() ({
      %run_scoped3A_171 = tpu.sem_alloc : memref<!tpu.dma_semaphore, #tpu.memory_space<semaphore_mem>>
      %dma_start3A_172 = arith.constant 0 : i32
      %dma_start3A_173 = tpu.memref_slice %arg9[%add3A_84, %dma_start3A_172] : memref<10240x64xf32, #tpu.memory_space<vmem_shared>> -> memref<128x64xf32, #tpu.memory_space<vmem_shared>>
      %dma_start3A_174 = arith.constant 0 : i32
      %dma_start3A_175 = tpu.memref_slice %arg9[%add3A_84, %dma_start3A_174] : memref<10240x64xf32, #tpu.memory_space<vmem_shared>> -> memref<128x64xf32, #tpu.memory_space<vmem_shared>>
      tpu.enqueue_dma source(%arg8 : memref<128x64xf32, #tpu.memory_space<vmem>>) target(%dma_start3A_175 : memref<128x64xf32, #tpu.memory_space<vmem_shared>>) target_semaphore(%run_scoped3A_171 : memref<!tpu.dma_semaphore, #tpu.memory_space<semaphore_mem>>)
      %dma_wait3A_176 = arith.constant 0 : i32
      %dma_wait3A_177 = tpu.memref_slice %arg9[%add3A_84, %dma_wait3A_176] : memref<10240x64xf32, #tpu.memory_space<vmem_shared>> -> memref<128x64xf32, #tpu.memory_space<vmem_shared>>
      %dma_wait3A_178 = arith.constant 0 : i32
      %dma_wait3A_179 = tpu.memref_slice %arg9[%add3A_84, %dma_wait3A_178] : memref<10240x64xf32, #tpu.memory_space<vmem_shared>> -> memref<128x64xf32, #tpu.memory_space<vmem_shared>>
      tpu.wait_dma2 semaphore(%run_scoped3A_171 : memref<!tpu.dma_semaphore, #tpu.memory_space<semaphore_mem>>) src(%arg8 : memref<128x64xf32, #tpu.memory_space<vmem>>) dst(%dma_wait3A_179 : memref<128x64xf32, #tpu.memory_space<vmem_shared>>)
      tpu.yield
    }) : () -> ()
    %add3A_85 = arith.constant 512 : i32
    %add3A_86 = arith.addi %mul3A_2, %add3A_85 : i32
    "tpu.region"() ({
      %run_scoped3A_171 = tpu.sem_alloc : memref<!tpu.dma_semaphore, #tpu.memory_space<semaphore_mem>>
      %dma_start3A_172 = arith.constant 0 : i32
      %dma_start3A_173 = tpu.memref_slice %arg9[%add3A_86, %dma_start3A_172] : memref<10240x64xf32, #tpu.memory_space<vmem_shared>> -> memref<128x64xf32, #tpu.memory_space<vmem_shared>>
      %dma_start3A_174 = arith.constant 0 : i32
      %dma_start3A_175 = tpu.memref_slice %arg9[%add3A_86, %dma_start3A_174] : memref<10240x64xf32, #tpu.memory_space<vmem_shared>> -> memref<128x64xf32, #tpu.memory_space<vmem_shared>>
      tpu.enqueue_dma source(%arg8 : memref<128x64xf32, #tpu.memory_space<vmem>>) target(%dma_start3A_175 : memref<128x64xf32, #tpu.memory_space<vmem_shared>>) target_semaphore(%run_scoped3A_171 : memref<!tpu.dma_semaphore, #tpu.memory_space<semaphore_mem>>)
      %dma_wait3A_176 = arith.constant 0 : i32
      %dma_wait3A_177 = tpu.memref_slice %arg9[%add3A_86, %dma_wait3A_176] : memref<10240x64xf32, #tpu.memory_space<vmem_shared>> -> memref<128x64xf32, #tpu.memory_space<vmem_shared>>
      %dma_wait3A_178 = arith.constant 0 : i32
      %dma_wait3A_179 = tpu.memref_slice %arg9[%add3A_86, %dma_wait3A_178] : memref<10240x64xf32, #tpu.memory_space<vmem_shared>> -> memref<128x64xf32, #tpu.memory_space<vmem_shared>>
      tpu.wait_dma2 semaphore(%run_scoped3A_171 : memref<!tpu.dma_semaphore, #tpu.memory_space<semaphore_mem>>) src(%arg8 : memref<128x64xf32, #tpu.memory_space<vmem>>) dst(%dma_wait3A_179 : memref<128x64xf32, #tpu.memory_space<vmem_shared>>)
      tpu.yield
    }) : () -> ()
    %barrier3A = arith.constant 0 : index
    tpu.barrier barrier_id(%barrier3A)
    %scan3A_87 = arith.constant 0 : i32
    %scan3A_88 = arith.constant 0 : i32
    %scan3A_89 = arith.constant 19 : i32
    %scan3A_90 = arith.addi %scan3A_88, %scan3A_89 : i32
    %scan3A_91 = arith.constant 1 : i32
    scf.for %scan3A_171 = %scan3A_88 to %scan3A_90 step %scan3A_91  : i32 {
      %mul3A_172 = arith.constant 4 : i32
      %mul3A_173 = arith.muli %scan3A_171, %mul3A_172 : i32
      %add3A_174 = arith.constant 0 : i32
      %add3A_175 = arith.addi %mul3A_173, %add3A_174 : i32
      %dma_wait3A_176 = arith.constant 0 : i32
      %dma_wait3A_177 = arith.constant 0 : i32
      %dma_wait3A_178 = arith.constant 0 : i32
      %dma_wait3A_179 = arith.constant 0 : i32
      %dma_wait3A_180 = arith.constant 0 : i32
      %dma_wait3A_181 = tpu.memref_slice %arg7[%dma_wait3A_177, %dma_wait3A_179, %dma_wait3A_180] : memref<4x128x64xf32, #tpu.memory_space<vmem>> -> memref<1x128x64xf32, #tpu.memory_space<vmem>>
      %dma_wait3A_182 = tpu.memref_squeeze %dma_wait3A_181 : memref<1x128x64xf32, #tpu.memory_space<vmem>> -> memref<128x64xf32, #tpu.memory_space<vmem>>
      %dma_wait3A_183 = arith.constant 0 : i32
      %dma_wait3A_184 = tpu.memref_slice %arg5[%dma_wait3A_176, %dma_wait3A_183] : memref<79x128xi32, #tpu.memory_space<vmem>> -> memref<1x128xi32, #tpu.memory_space<vmem>>
      %dma_wait3A_185 = tpu.memref_squeeze %dma_wait3A_184 : memref<1x128xi32, #tpu.memory_space<vmem>> -> memref<128xi32, #tpu.memory_space<vmem>>
      %dma_wait3A_186 = arith.constant 0 : i32
      %dma_wait3A_187 = arith.constant 0 : i32
      %dma_wait3A_188 = tpu.memref_slice %arg2[%dma_wait3A_186, %dma_wait3A_187] : memref<10000x64xf32, #tpu.memory_space<hbm>> -> memref<10000x64xf32, #tpu.memory_space<hbm>>
      %dma_wait3A_189 = tpu.memref_slice %arg10[%dma_wait3A_178] : memref<4x!tpu.dma_semaphore, #tpu.memory_space<semaphore_mem>> -> memref<1x!tpu.dma_semaphore, #tpu.memory_space<semaphore_mem>>
      %dma_wait3A_190 = tpu.memref_squeeze %dma_wait3A_189 : memref<1x!tpu.dma_semaphore, #tpu.memory_space<semaphore_mem>> -> memref<!tpu.dma_semaphore, #tpu.memory_space<semaphore_mem>>
      tpu.wait_indirect_dma semaphore(%dma_wait3A_190 : memref<!tpu.dma_semaphore, #tpu.memory_space<semaphore_mem>>) src(%dma_wait3A_188 : memref<10000x64xf32, #tpu.memory_space<hbm>>) dst(%dma_wait3A_182 : memref<128x64xf32, #tpu.memory_space<vmem>>)
      %run_scoped3A_191 = arith.constant 0 : i32
      "tpu.region"() ({
        %run_scoped3A_275 = tpu.sem_alloc : memref<!tpu.dma_semaphore, #tpu.memory_space<semaphore_mem>>
        %dma_start3A_276 = arith.constant 0 : i32
        %dma_start3A_277 = arith.constant 0 : i32
        %dma_start3A_278 = tpu.memref_slice %arg7[%run_scoped3A_191, %dma_start3A_276, %dma_start3A_277] : memref<4x128x64xf32, #tpu.memory_space<vmem>> -> memref<1x128x64xf32, #tpu.memory_space<vmem>>
        %dma_start3A_279 = tpu.memref_squeeze %dma_start3A_278 : memref<1x128x64xf32, #tpu.memory_space<vmem>> -> memref<128x64xf32, #tpu.memory_space<vmem>>
        %dma_start3A_280 = arith.constant 0 : i32
        %dma_start3A_281 = tpu.memref_slice %arg6[%add3A_175, %dma_start3A_280] : memref<79x128xi32, #tpu.memory_space<vmem>> -> memref<1x128xi32, #tpu.memory_space<vmem>>
        %dma_start3A_282 = tpu.memref_squeeze %dma_start3A_281 : memref<1x128xi32, #tpu.memory_space<vmem>> -> memref<128xi32, #tpu.memory_space<vmem>>
        %dma_start3A_283 = arith.constant 0 : i32
        %dma_start3A_284 = arith.constant 0 : i32
        %dma_start3A_285 = tpu.memref_slice %arg9[%dma_start3A_283, %dma_start3A_284] : memref<10240x64xf32, #tpu.memory_space<vmem_shared>> -> memref<10240x64xf32, #tpu.memory_space<vmem_shared>>
        tpu.enqueue_indirect_dma source(%dma_start3A_279 : memref<128x64xf32, #tpu.memory_space<vmem>>) target(%dma_start3A_285 : memref<10240x64xf32, #tpu.memory_space<vmem_shared>>) offsets(%dma_start3A_282 : memref<128xi32, #tpu.memory_space<vmem>>) semaphore(%run_scoped3A_275 : memref<!tpu.dma_semaphore, #tpu.memory_space<semaphore_mem>>) {add = true}
        %dma_wait3A_286 = arith.constant 0 : i32
        %dma_wait3A_287 = arith.constant 0 : i32
        %dma_wait3A_288 = tpu.memref_slice %arg7[%run_scoped3A_191, %dma_wait3A_286, %dma_wait3A_287] : memref<4x128x64xf32, #tpu.memory_space<vmem>> -> memref<1x128x64xf32, #tpu.memory_space<vmem>>
        %dma_wait3A_289 = tpu.memref_squeeze %dma_wait3A_288 : memref<1x128x64xf32, #tpu.memory_space<vmem>> -> memref<128x64xf32, #tpu.memory_space<vmem>>
        %dma_wait3A_290 = arith.constant 0 : i32
        %dma_wait3A_291 = tpu.memref_slice %arg6[%add3A_175, %dma_wait3A_290] : memref<79x128xi32, #tpu.memory_space<vmem>> -> memref<1x128xi32, #tpu.memory_space<vmem>>
        %dma_wait3A_292 = tpu.memref_squeeze %dma_wait3A_291 : memref<1x128xi32, #tpu.memory_space<vmem>> -> memref<128xi32, #tpu.memory_space<vmem>>
        %dma_wait3A_293 = arith.constant 0 : i32
        %dma_wait3A_294 = arith.constant 0 : i32
        %dma_wait3A_295 = tpu.memref_slice %arg9[%dma_wait3A_293, %dma_wait3A_294] : memref<10240x64xf32, #tpu.memory_space<vmem_shared>> -> memref<10240x64xf32, #tpu.memory_space<vmem_shared>>
        tpu.wait_indirect_dma semaphore(%run_scoped3A_275 : memref<!tpu.dma_semaphore, #tpu.memory_space<semaphore_mem>>) src(%dma_wait3A_289 : memref<128x64xf32, #tpu.memory_space<vmem>>) dst(%dma_wait3A_295 : memref<10240x64xf32, #tpu.memory_space<vmem_shared>>)
        tpu.yield
      }) : () -> ()
      %add3A_192 = arith.constant 4 : i32
      %add3A_193 = arith.addi %add3A_175, %add3A_192 : i32
      %lt3A = arith.cmpi slt, %add3A_193, %add3A_11 : i32
      %convert_element_type3A_194 = arith.extui %lt3A : i1 to i32
      %cond3A_195 = arith.constant 0 : i32
      %cond3A_196 = arith.cmpi ne, %convert_element_type3A_194, %cond3A_195 : i32
      scf.if %cond3A_196 {
        %dma_start3A_275 = arith.constant 0 : i32
        %dma_start3A_276 = arith.constant 0 : i32
        %dma_start3A_277 = arith.constant 0 : i32
        %dma_start3A_278 = arith.constant 0 : i32
        %dma_start3A_279 = tpu.memref_slice %arg7[%dma_start3A_275, %dma_start3A_277, %dma_start3A_278] : memref<4x128x64xf32, #tpu.memory_space<vmem>> -> memref<1x128x64xf32, #tpu.memory_space<vmem>>
        %dma_start3A_280 = tpu.memref_squeeze %dma_start3A_279 : memref<1x128x64xf32, #tpu.memory_space<vmem>> -> memref<128x64xf32, #tpu.memory_space<vmem>>
        %dma_start3A_281 = arith.constant 0 : i32
        %dma_start3A_282 = tpu.memref_slice %arg5[%add3A_193, %dma_start3A_281] : memref<79x128xi32, #tpu.memory_space<vmem>> -> memref<1x128xi32, #tpu.memory_space<vmem>>
        %dma_start3A_283 = tpu.memref_squeeze %dma_start3A_282 : memref<1x128xi32, #tpu.memory_space<vmem>> -> memref<128xi32, #tpu.memory_space<vmem>>
        %dma_start3A_284 = arith.constant 0 : i32
        %dma_start3A_285 = arith.constant 0 : i32
        %dma_start3A_286 = tpu.memref_slice %arg2[%dma_start3A_284, %dma_start3A_285] : memref<10000x64xf32, #tpu.memory_space<hbm>> -> memref<10000x64xf32, #tpu.memory_space<hbm>>
        %dma_start3A_287 = tpu.memref_slice %arg10[%dma_start3A_276] : memref<4x!tpu.dma_semaphore, #tpu.memory_space<semaphore_mem>> -> memref<1x!tpu.dma_semaphore, #tpu.memory_space<semaphore_mem>>
        %dma_start3A_288 = tpu.memref_squeeze %dma_start3A_287 : memref<1x!tpu.dma_semaphore, #tpu.memory_space<semaphore_mem>> -> memref<!tpu.dma_semaphore, #tpu.memory_space<semaphore_mem>>
        tpu.enqueue_indirect_dma source(%dma_start3A_286 : memref<10000x64xf32, #tpu.memory_space<hbm>>) target(%dma_start3A_280 : memref<128x64xf32, #tpu.memory_space<vmem>>) offsets(%dma_start3A_283 : memref<128xi32, #tpu.memory_space<vmem>>) semaphore(%dma_start3A_288 : memref<!tpu.dma_semaphore, #tpu.memory_space<semaphore_mem>>)
      } else {
      }
      %mul3A_197 = arith.constant 4 : i32
      %mul3A_198 = arith.muli %scan3A_171, %mul3A_197 : i32
      %add3A_199 = arith.constant 1 : i32
      %add3A_200 = arith.addi %mul3A_198, %add3A_199 : i32
      %dma_wait3A_201 = arith.constant 1 : i32
      %dma_wait3A_202 = arith.constant 1 : i32
      %dma_wait3A_203 = arith.constant 1 : i32
      %dma_wait3A_204 = arith.constant 0 : i32
      %dma_wait3A_205 = arith.constant 0 : i32
      %dma_wait3A_206 = tpu.memref_slice %arg7[%dma_wait3A_202, %dma_wait3A_204, %dma_wait3A_205] : memref<4x128x64xf32, #tpu.memory_space<vmem>> -> memref<1x128x64xf32, #tpu.memory_space<vmem>>
      %dma_wait3A_207 = tpu.memref_squeeze %dma_wait3A_206 : memref<1x128x64xf32, #tpu.memory_space<vmem>> -> memref<128x64xf32, #tpu.memory_space<vmem>>
      %dma_wait3A_208 = arith.constant 0 : i32
      %dma_wait3A_209 = tpu.memref_slice %arg5[%dma_wait3A_201, %dma_wait3A_208] : memref<79x128xi32, #tpu.memory_space<vmem>> -> memref<1x128xi32, #tpu.memory_space<vmem>>
      %dma_wait3A_210 = tpu.memref_squeeze %dma_wait3A_209 : memref<1x128xi32, #tpu.memory_space<vmem>> -> memref<128xi32, #tpu.memory_space<vmem>>
      %dma_wait3A_211 = arith.constant 0 : i32
      %dma_wait3A_212 = arith.constant 0 : i32
      %dma_wait3A_213 = tpu.memref_slice %arg2[%dma_wait3A_211, %dma_wait3A_212] : memref<10000x64xf32, #tpu.memory_space<hbm>> -> memref<10000x64xf32, #tpu.memory_space<hbm>>
      %dma_wait3A_214 = tpu.memref_slice %arg10[%dma_wait3A_203] : memref<4x!tpu.dma_semaphore, #tpu.memory_space<semaphore_mem>> -> memref<1x!tpu.dma_semaphore, #tpu.memory_space<semaphore_mem>>
      %dma_wait3A_215 = tpu.memref_squeeze %dma_wait3A_214 : memref<1x!tpu.dma_semaphore, #tpu.memory_space<semaphore_mem>> -> memref<!tpu.dma_semaphore, #tpu.memory_space<semaphore_mem>>
      tpu.wait_indirect_dma semaphore(%dma_wait3A_215 : memref<!tpu.dma_semaphore, #tpu.memory_space<semaphore_mem>>) src(%dma_wait3A_213 : memref<10000x64xf32, #tpu.memory_space<hbm>>) dst(%dma_wait3A_207 : memref<128x64xf32, #tpu.memory_space<vmem>>)
      %run_scoped3A_216 = arith.constant 1 : i32
      "tpu.region"() ({
        %run_scoped3A_275 = tpu.sem_alloc : memref<!tpu.dma_semaphore, #tpu.memory_space<semaphore_mem>>
        %dma_start3A_276 = arith.constant 0 : i32
        %dma_start3A_277 = arith.constant 0 : i32
        %dma_start3A_278 = tpu.memref_slice %arg7[%run_scoped3A_216, %dma_start3A_276, %dma_start3A_277] : memref<4x128x64xf32, #tpu.memory_space<vmem>> -> memref<1x128x64xf32, #tpu.memory_space<vmem>>
        %dma_start3A_279 = tpu.memref_squeeze %dma_start3A_278 : memref<1x128x64xf32, #tpu.memory_space<vmem>> -> memref<128x64xf32, #tpu.memory_space<vmem>>
        %dma_start3A_280 = arith.constant 0 : i32
        %dma_start3A_281 = tpu.memref_slice %arg6[%add3A_200, %dma_start3A_280] : memref<79x128xi32, #tpu.memory_space<vmem>> -> memref<1x128xi32, #tpu.memory_space<vmem>>
        %dma_start3A_282 = tpu.memref_squeeze %dma_start3A_281 : memref<1x128xi32, #tpu.memory_space<vmem>> -> memref<128xi32, #tpu.memory_space<vmem>>
        %dma_start3A_283 = arith.constant 0 : i32
        %dma_start3A_284 = arith.constant 0 : i32
        %dma_start3A_285 = tpu.memref_slice %arg9[%dma_start3A_283, %dma_start3A_284] : memref<10240x64xf32, #tpu.memory_space<vmem_shared>> -> memref<10240x64xf32, #tpu.memory_space<vmem_shared>>
        tpu.enqueue_indirect_dma source(%dma_start3A_279 : memref<128x64xf32, #tpu.memory_space<vmem>>) target(%dma_start3A_285 : memref<10240x64xf32, #tpu.memory_space<vmem_shared>>) offsets(%dma_start3A_282 : memref<128xi32, #tpu.memory_space<vmem>>) semaphore(%run_scoped3A_275 : memref<!tpu.dma_semaphore, #tpu.memory_space<semaphore_mem>>) {add = true}
        %dma_wait3A_286 = arith.constant 0 : i32
        %dma_wait3A_287 = arith.constant 0 : i32
        %dma_wait3A_288 = tpu.memref_slice %arg7[%run_scoped3A_216, %dma_wait3A_286, %dma_wait3A_287] : memref<4x128x64xf32, #tpu.memory_space<vmem>> -> memref<1x128x64xf32, #tpu.memory_space<vmem>>
        %dma_wait3A_289 = tpu.memref_squeeze %dma_wait3A_288 : memref<1x128x64xf32, #tpu.memory_space<vmem>> -> memref<128x64xf32, #tpu.memory_space<vmem>>
        %dma_wait3A_290 = arith.constant 0 : i32
        %dma_wait3A_291 = tpu.memref_slice %arg6[%add3A_200, %dma_wait3A_290] : memref<79x128xi32, #tpu.memory_space<vmem>> -> memref<1x128xi32, #tpu.memory_space<vmem>>
        %dma_wait3A_292 = tpu.memref_squeeze %dma_wait3A_291 : memref<1x128xi32, #tpu.memory_space<vmem>> -> memref<128xi32, #tpu.memory_space<vmem>>
        %dma_wait3A_293 = arith.constant 0 : i32
        %dma_wait3A_294 = arith.constant 0 : i32
        %dma_wait3A_295 = tpu.memref_slice %arg9[%dma_wait3A_293, %dma_wait3A_294] : memref<10240x64xf32, #tpu.memory_space<vmem_shared>> -> memref<10240x64xf32, #tpu.memory_space<vmem_shared>>
        tpu.wait_indirect_dma semaphore(%run_scoped3A_275 : memref<!tpu.dma_semaphore, #tpu.memory_space<semaphore_mem>>) src(%dma_wait3A_289 : memref<128x64xf32, #tpu.memory_space<vmem>>) dst(%dma_wait3A_295 : memref<10240x64xf32, #tpu.memory_space<vmem_shared>>)
        tpu.yield
      }) : () -> ()
      %add3A_217 = arith.constant 4 : i32
      %add3A_218 = arith.addi %add3A_200, %add3A_217 : i32
      %lt3A_219 = arith.cmpi slt, %add3A_218, %add3A_11 : i32
      %convert_element_type3A_220 = arith.extui %lt3A_219 : i1 to i32
      %cond3A_221 = arith.constant 0 : i32
      %cond3A_222 = arith.cmpi ne, %convert_element_type3A_220, %cond3A_221 : i32
      scf.if %cond3A_222 {
        %dma_start3A_275 = arith.constant 1 : i32
        %dma_start3A_276 = arith.constant 1 : i32
        %dma_start3A_277 = arith.constant 0 : i32
        %dma_start3A_278 = arith.constant 0 : i32
        %dma_start3A_279 = tpu.memref_slice %arg7[%dma_start3A_275, %dma_start3A_277, %dma_start3A_278] : memref<4x128x64xf32, #tpu.memory_space<vmem>> -> memref<1x128x64xf32, #tpu.memory_space<vmem>>
        %dma_start3A_280 = tpu.memref_squeeze %dma_start3A_279 : memref<1x128x64xf32, #tpu.memory_space<vmem>> -> memref<128x64xf32, #tpu.memory_space<vmem>>
        %dma_start3A_281 = arith.constant 0 : i32
        %dma_start3A_282 = tpu.memref_slice %arg5[%add3A_218, %dma_start3A_281] : memref<79x128xi32, #tpu.memory_space<vmem>> -> memref<1x128xi32, #tpu.memory_space<vmem>>
        %dma_start3A_283 = tpu.memref_squeeze %dma_start3A_282 : memref<1x128xi32, #tpu.memory_space<vmem>> -> memref<128xi32, #tpu.memory_space<vmem>>
        %dma_start3A_284 = arith.constant 0 : i32
        %dma_start3A_285 = arith.constant 0 : i32
        %dma_start3A_286 = tpu.memref_slice %arg2[%dma_start3A_284, %dma_start3A_285] : memref<10000x64xf32, #tpu.memory_space<hbm>> -> memref<10000x64xf32, #tpu.memory_space<hbm>>
        %dma_start3A_287 = tpu.memref_slice %arg10[%dma_start3A_276] : memref<4x!tpu.dma_semaphore, #tpu.memory_space<semaphore_mem>> -> memref<1x!tpu.dma_semaphore, #tpu.memory_space<semaphore_mem>>
        %dma_start3A_288 = tpu.memref_squeeze %dma_start3A_287 : memref<1x!tpu.dma_semaphore, #tpu.memory_space<semaphore_mem>> -> memref<!tpu.dma_semaphore, #tpu.memory_space<semaphore_mem>>
        tpu.enqueue_indirect_dma source(%dma_start3A_286 : memref<10000x64xf32, #tpu.memory_space<hbm>>) target(%dma_start3A_280 : memref<128x64xf32, #tpu.memory_space<vmem>>) offsets(%dma_start3A_283 : memref<128xi32, #tpu.memory_space<vmem>>) semaphore(%dma_start3A_288 : memref<!tpu.dma_semaphore, #tpu.memory_space<semaphore_mem>>)
      } else {
      }
      %mul3A_223 = arith.constant 4 : i32
      %mul3A_224 = arith.muli %scan3A_171, %mul3A_223 : i32
      %add3A_225 = arith.constant 2 : i32
      %add3A_226 = arith.addi %mul3A_224, %add3A_225 : i32
      %dma_wait3A_227 = arith.constant 2 : i32
      %dma_wait3A_228 = arith.constant 2 : i32
      %dma_wait3A_229 = arith.constant 2 : i32
      %dma_wait3A_230 = arith.constant 0 : i32
      %dma_wait3A_231 = arith.constant 0 : i32
      %dma_wait3A_232 = tpu.memref_slice %arg7[%dma_wait3A_228, %dma_wait3A_230, %dma_wait3A_231] : memref<4x128x64xf32, #tpu.memory_space<vmem>> -> memref<1x128x64xf32, #tpu.memory_space<vmem>>
      %dma_wait3A_233 = tpu.memref_squeeze %dma_wait3A_232 : memref<1x128x64xf32, #tpu.memory_space<vmem>> -> memref<128x64xf32, #tpu.memory_space<vmem>>
      %dma_wait3A_234 = arith.constant 0 : i32
      %dma_wait3A_235 = tpu.memref_slice %arg5[%dma_wait3A_227, %dma_wait3A_234] : memref<79x128xi32, #tpu.memory_space<vmem>> -> memref<1x128xi32, #tpu.memory_space<vmem>>
      %dma_wait3A_236 = tpu.memref_squeeze %dma_wait3A_235 : memref<1x128xi32, #tpu.memory_space<vmem>> -> memref<128xi32, #tpu.memory_space<vmem>>
      %dma_wait3A_237 = arith.constant 0 : i32
      %dma_wait3A_238 = arith.constant 0 : i32
      %dma_wait3A_239 = tpu.memref_slice %arg2[%dma_wait3A_237, %dma_wait3A_238] : memref<10000x64xf32, #tpu.memory_space<hbm>> -> memref<10000x64xf32, #tpu.memory_space<hbm>>
      %dma_wait3A_240 = tpu.memref_slice %arg10[%dma_wait3A_229] : memref<4x!tpu.dma_semaphore, #tpu.memory_space<semaphore_mem>> -> memref<1x!tpu.dma_semaphore, #tpu.memory_space<semaphore_mem>>
      %dma_wait3A_241 = tpu.memref_squeeze %dma_wait3A_240 : memref<1x!tpu.dma_semaphore, #tpu.memory_space<semaphore_mem>> -> memref<!tpu.dma_semaphore, #tpu.memory_space<semaphore_mem>>
      tpu.wait_indirect_dma semaphore(%dma_wait3A_241 : memref<!tpu.dma_semaphore, #tpu.memory_space<semaphore_mem>>) src(%dma_wait3A_239 : memref<10000x64xf32, #tpu.memory_space<hbm>>) dst(%dma_wait3A_233 : memref<128x64xf32, #tpu.memory_space<vmem>>)
      %run_scoped3A_242 = arith.constant 2 : i32
      "tpu.region"() ({
        %run_scoped3A_275 = tpu.sem_alloc : memref<!tpu.dma_semaphore, #tpu.memory_space<semaphore_mem>>
        %dma_start3A_276 = arith.constant 0 : i32
        %dma_start3A_277 = arith.constant 0 : i32
        %dma_start3A_278 = tpu.memref_slice %arg7[%run_scoped3A_242, %dma_start3A_276, %dma_start3A_277] : memref<4x128x64xf32, #tpu.memory_space<vmem>> -> memref<1x128x64xf32, #tpu.memory_space<vmem>>
        %dma_start3A_279 = tpu.memref_squeeze %dma_start3A_278 : memref<1x128x64xf32, #tpu.memory_space<vmem>> -> memref<128x64xf32, #tpu.memory_space<vmem>>
        %dma_start3A_280 = arith.constant 0 : i32
        %dma_start3A_281 = tpu.memref_slice %arg6[%add3A_226, %dma_start3A_280] : memref<79x128xi32, #tpu.memory_space<vmem>> -> memref<1x128xi32, #tpu.memory_space<vmem>>
        %dma_start3A_282 = tpu.memref_squeeze %dma_start3A_281 : memref<1x128xi32, #tpu.memory_space<vmem>> -> memref<128xi32, #tpu.memory_space<vmem>>
        %dma_start3A_283 = arith.constant 0 : i32
        %dma_start3A_284 = arith.constant 0 : i32
        %dma_start3A_285 = tpu.memref_slice %arg9[%dma_start3A_283, %dma_start3A_284] : memref<10240x64xf32, #tpu.memory_space<vmem_shared>> -> memref<10240x64xf32, #tpu.memory_space<vmem_shared>>
        tpu.enqueue_indirect_dma source(%dma_start3A_279 : memref<128x64xf32, #tpu.memory_space<vmem>>) target(%dma_start3A_285 : memref<10240x64xf32, #tpu.memory_space<vmem_shared>>) offsets(%dma_start3A_282 : memref<128xi32, #tpu.memory_space<vmem>>) semaphore(%run_scoped3A_275 : memref<!tpu.dma_semaphore, #tpu.memory_space<semaphore_mem>>) {add = true}
        %dma_wait3A_286 = arith.constant 0 : i32
        %dma_wait3A_287 = arith.constant 0 : i32
        %dma_wait3A_288 = tpu.memref_slice %arg7[%run_scoped3A_242, %dma_wait3A_286, %dma_wait3A_287] : memref<4x128x64xf32, #tpu.memory_space<vmem>> -> memref<1x128x64xf32, #tpu.memory_space<vmem>>
        %dma_wait3A_289 = tpu.memref_squeeze %dma_wait3A_288 : memref<1x128x64xf32, #tpu.memory_space<vmem>> -> memref<128x64xf32, #tpu.memory_space<vmem>>
        %dma_wait3A_290 = arith.constant 0 : i32
        %dma_wait3A_291 = tpu.memref_slice %arg6[%add3A_226, %dma_wait3A_290] : memref<79x128xi32, #tpu.memory_space<vmem>> -> memref<1x128xi32, #tpu.memory_space<vmem>>
        %dma_wait3A_292 = tpu.memref_squeeze %dma_wait3A_291 : memref<1x128xi32, #tpu.memory_space<vmem>> -> memref<128xi32, #tpu.memory_space<vmem>>
        %dma_wait3A_293 = arith.constant 0 : i32
        %dma_wait3A_294 = arith.constant 0 : i32
        %dma_wait3A_295 = tpu.memref_slice %arg9[%dma_wait3A_293, %dma_wait3A_294] : memref<10240x64xf32, #tpu.memory_space<vmem_shared>> -> memref<10240x64xf32, #tpu.memory_space<vmem_shared>>
        tpu.wait_indirect_dma semaphore(%run_scoped3A_275 : memref<!tpu.dma_semaphore, #tpu.memory_space<semaphore_mem>>) src(%dma_wait3A_289 : memref<128x64xf32, #tpu.memory_space<vmem>>) dst(%dma_wait3A_295 : memref<10240x64xf32, #tpu.memory_space<vmem_shared>>)
        tpu.yield
      }) : () -> ()
      %add3A_243 = arith.constant 4 : i32
      %add3A_244 = arith.addi %add3A_226, %add3A_243 : i32
      %lt3A_245 = arith.cmpi slt, %add3A_244, %add3A_11 : i32
      %convert_element_type3A_246 = arith.extui %lt3A_245 : i1 to i32
      %cond3A_247 = arith.constant 0 : i32
      %cond3A_248 = arith.cmpi ne, %convert_element_type3A_246, %cond3A_247 : i32
      scf.if %cond3A_248 {
        %dma_start3A_275 = arith.constant 2 : i32
        %dma_start3A_276 = arith.constant 2 : i32
        %dma_start3A_277 = arith.constant 0 : i32
        %dma_start3A_278 = arith.constant 0 : i32
        %dma_start3A_279 = tpu.memref_slice %arg7[%dma_start3A_275, %dma_start3A_277, %dma_start3A_278] : memref<4x128x64xf32, #tpu.memory_space<vmem>> -> memref<1x128x64xf32, #tpu.memory_space<vmem>>
        %dma_start3A_280 = tpu.memref_squeeze %dma_start3A_279 : memref<1x128x64xf32, #tpu.memory_space<vmem>> -> memref<128x64xf32, #tpu.memory_space<vmem>>
        %dma_start3A_281 = arith.constant 0 : i32
        %dma_start3A_282 = tpu.memref_slice %arg5[%add3A_244, %dma_start3A_281] : memref<79x128xi32, #tpu.memory_space<vmem>> -> memref<1x128xi32, #tpu.memory_space<vmem>>
        %dma_start3A_283 = tpu.memref_squeeze %dma_start3A_282 : memref<1x128xi32, #tpu.memory_space<vmem>> -> memref<128xi32, #tpu.memory_space<vmem>>
        %dma_start3A_284 = arith.constant 0 : i32
        %dma_start3A_285 = arith.constant 0 : i32
        %dma_start3A_286 = tpu.memref_slice %arg2[%dma_start3A_284, %dma_start3A_285] : memref<10000x64xf32, #tpu.memory_space<hbm>> -> memref<10000x64xf32, #tpu.memory_space<hbm>>
        %dma_start3A_287 = tpu.memref_slice %arg10[%dma_start3A_276] : memref<4x!tpu.dma_semaphore, #tpu.memory_space<semaphore_mem>> -> memref<1x!tpu.dma_semaphore, #tpu.memory_space<semaphore_mem>>
        %dma_start3A_288 = tpu.memref_squeeze %dma_start3A_287 : memref<1x!tpu.dma_semaphore, #tpu.memory_space<semaphore_mem>> -> memref<!tpu.dma_semaphore, #tpu.memory_space<semaphore_mem>>
        tpu.enqueue_indirect_dma source(%dma_start3A_286 : memref<10000x64xf32, #tpu.memory_space<hbm>>) target(%dma_start3A_280 : memref<128x64xf32, #tpu.memory_space<vmem>>) offsets(%dma_start3A_283 : memref<128xi32, #tpu.memory_space<vmem>>) semaphore(%dma_start3A_288 : memref<!tpu.dma_semaphore, #tpu.memory_space<semaphore_mem>>)
      } else {
      }
      %mul3A_249 = arith.constant 4 : i32
      %mul3A_250 = arith.muli %scan3A_171, %mul3A_249 : i32
      %add3A_251 = arith.constant 3 : i32
      %add3A_252 = arith.addi %mul3A_250, %add3A_251 : i32
      %dma_wait3A_253 = arith.constant 3 : i32
      %dma_wait3A_254 = arith.constant 3 : i32
      %dma_wait3A_255 = arith.constant 3 : i32
      %dma_wait3A_256 = arith.constant 0 : i32
      %dma_wait3A_257 = arith.constant 0 : i32
      %dma_wait3A_258 = tpu.memref_slice %arg7[%dma_wait3A_254, %dma_wait3A_256, %dma_wait3A_257] : memref<4x128x64xf32, #tpu.memory_space<vmem>> -> memref<1x128x64xf32, #tpu.memory_space<vmem>>
      %dma_wait3A_259 = tpu.memref_squeeze %dma_wait3A_258 : memref<1x128x64xf32, #tpu.memory_space<vmem>> -> memref<128x64xf32, #tpu.memory_space<vmem>>
      %dma_wait3A_260 = arith.constant 0 : i32
      %dma_wait3A_261 = tpu.memref_slice %arg5[%dma_wait3A_253, %dma_wait3A_260] : memref<79x128xi32, #tpu.memory_space<vmem>> -> memref<1x128xi32, #tpu.memory_space<vmem>>
      %dma_wait3A_262 = tpu.memref_squeeze %dma_wait3A_261 : memref<1x128xi32, #tpu.memory_space<vmem>> -> memref<128xi32, #tpu.memory_space<vmem>>
      %dma_wait3A_263 = arith.constant 0 : i32
      %dma_wait3A_264 = arith.constant 0 : i32
      %dma_wait3A_265 = tpu.memref_slice %arg2[%dma_wait3A_263, %dma_wait3A_264] : memref<10000x64xf32, #tpu.memory_space<hbm>> -> memref<10000x64xf32, #tpu.memory_space<hbm>>
      %dma_wait3A_266 = tpu.memref_slice %arg10[%dma_wait3A_255] : memref<4x!tpu.dma_semaphore, #tpu.memory_space<semaphore_mem>> -> memref<1x!tpu.dma_semaphore, #tpu.memory_space<semaphore_mem>>
      %dma_wait3A_267 = tpu.memref_squeeze %dma_wait3A_266 : memref<1x!tpu.dma_semaphore, #tpu.memory_space<semaphore_mem>> -> memref<!tpu.dma_semaphore, #tpu.memory_space<semaphore_mem>>
      tpu.wait_indirect_dma semaphore(%dma_wait3A_267 : memref<!tpu.dma_semaphore, #tpu.memory_space<semaphore_mem>>) src(%dma_wait3A_265 : memref<10000x64xf32, #tpu.memory_space<hbm>>) dst(%dma_wait3A_259 : memref<128x64xf32, #tpu.memory_space<vmem>>)
      %run_scoped3A_268 = arith.constant 3 : i32
      "tpu.region"() ({
        %run_scoped3A_275 = tpu.sem_alloc : memref<!tpu.dma_semaphore, #tpu.memory_space<semaphore_mem>>
        %dma_start3A_276 = arith.constant 0 : i32
        %dma_start3A_277 = arith.constant 0 : i32
        %dma_start3A_278 = tpu.memref_slice %arg7[%run_scoped3A_268, %dma_start3A_276, %dma_start3A_277] : memref<4x128x64xf32, #tpu.memory_space<vmem>> -> memref<1x128x64xf32, #tpu.memory_space<vmem>>
        %dma_start3A_279 = tpu.memref_squeeze %dma_start3A_278 : memref<1x128x64xf32, #tpu.memory_space<vmem>> -> memref<128x64xf32, #tpu.memory_space<vmem>>
        %dma_start3A_280 = arith.constant 0 : i32
        %dma_start3A_281 = tpu.memref_slice %arg6[%add3A_252, %dma_start3A_280] : memref<79x128xi32, #tpu.memory_space<vmem>> -> memref<1x128xi32, #tpu.memory_space<vmem>>
        %dma_start3A_282 = tpu.memref_squeeze %dma_start3A_281 : memref<1x128xi32, #tpu.memory_space<vmem>> -> memref<128xi32, #tpu.memory_space<vmem>>
        %dma_start3A_283 = arith.constant 0 : i32
        %dma_start3A_284 = arith.constant 0 : i32
        %dma_start3A_285 = tpu.memref_slice %arg9[%dma_start3A_283, %dma_start3A_284] : memref<10240x64xf32, #tpu.memory_space<vmem_shared>> -> memref<10240x64xf32, #tpu.memory_space<vmem_shared>>
        tpu.enqueue_indirect_dma source(%dma_start3A_279 : memref<128x64xf32, #tpu.memory_space<vmem>>) target(%dma_start3A_285 : memref<10240x64xf32, #tpu.memory_space<vmem_shared>>) offsets(%dma_start3A_282 : memref<128xi32, #tpu.memory_space<vmem>>) semaphore(%run_scoped3A_275 : memref<!tpu.dma_semaphore, #tpu.memory_space<semaphore_mem>>) {add = true}
        %dma_wait3A_286 = arith.constant 0 : i32
        %dma_wait3A_287 = arith.constant 0 : i32
        %dma_wait3A_288 = tpu.memref_slice %arg7[%run_scoped3A_268, %dma_wait3A_286, %dma_wait3A_287] : memref<4x128x64xf32, #tpu.memory_space<vmem>> -> memref<1x128x64xf32, #tpu.memory_space<vmem>>
        %dma_wait3A_289 = tpu.memref_squeeze %dma_wait3A_288 : memref<1x128x64xf32, #tpu.memory_space<vmem>> -> memref<128x64xf32, #tpu.memory_space<vmem>>
        %dma_wait3A_290 = arith.constant 0 : i32
        %dma_wait3A_291 = tpu.memref_slice %arg6[%add3A_252, %dma_wait3A_290] : memref<79x128xi32, #tpu.memory_space<vmem>> -> memref<1x128xi32, #tpu.memory_space<vmem>>
        %dma_wait3A_292 = tpu.memref_squeeze %dma_wait3A_291 : memref<1x128xi32, #tpu.memory_space<vmem>> -> memref<128xi32, #tpu.memory_space<vmem>>
        %dma_wait3A_293 = arith.constant 0 : i32
        %dma_wait3A_294 = arith.constant 0 : i32
        %dma_wait3A_295 = tpu.memref_slice %arg9[%dma_wait3A_293, %dma_wait3A_294] : memref<10240x64xf32, #tpu.memory_space<vmem_shared>> -> memref<10240x64xf32, #tpu.memory_space<vmem_shared>>
        tpu.wait_indirect_dma semaphore(%run_scoped3A_275 : memref<!tpu.dma_semaphore, #tpu.memory_space<semaphore_mem>>) src(%dma_wait3A_289 : memref<128x64xf32, #tpu.memory_space<vmem>>) dst(%dma_wait3A_295 : memref<10240x64xf32, #tpu.memory_space<vmem_shared>>)
        tpu.yield
      }) : () -> ()
      %add3A_269 = arith.constant 4 : i32
      %add3A_270 = arith.addi %add3A_252, %add3A_269 : i32
      %lt3A_271 = arith.cmpi slt, %add3A_270, %add3A_11 : i32
      %convert_element_type3A_272 = arith.extui %lt3A_271 : i1 to i32
      %cond3A_273 = arith.constant 0 : i32
      %cond3A_274 = arith.cmpi ne, %convert_element_type3A_272, %cond3A_273 : i32
      scf.if %cond3A_274 {
        %dma_start3A_275 = arith.constant 3 : i32
        %dma_start3A_276 = arith.constant 3 : i32
        %dma_start3A_277 = arith.constant 0 : i32
        %dma_start3A_278 = arith.constant 0 : i32
        %dma_start3A_279 = tpu.memref_slice %arg7[%dma_start3A_275, %dma_start3A_277, %dma_start3A_278] : memref<4x128x64xf32, #tpu.memory_space<vmem>> -> memref<1x128x64xf32, #tpu.memory_space<vmem>>
        %dma_start3A_280 = tpu.memref_squeeze %dma_start3A_279 : memref<1x128x64xf32, #tpu.memory_space<vmem>> -> memref<128x64xf32, #tpu.memory_space<vmem>>
        %dma_start3A_281 = arith.constant 0 : i32
        %dma_start3A_282 = tpu.memref_slice %arg5[%add3A_270, %dma_start3A_281] : memref<79x128xi32, #tpu.memory_space<vmem>> -> memref<1x128xi32, #tpu.memory_space<vmem>>
        %dma_start3A_283 = tpu.memref_squeeze %dma_start3A_282 : memref<1x128xi32, #tpu.memory_space<vmem>> -> memref<128xi32, #tpu.memory_space<vmem>>
        %dma_start3A_284 = arith.constant 0 : i32
        %dma_start3A_285 = arith.constant 0 : i32
        %dma_start3A_286 = tpu.memref_slice %arg2[%dma_start3A_284, %dma_start3A_285] : memref<10000x64xf32, #tpu.memory_space<hbm>> -> memref<10000x64xf32, #tpu.memory_space<hbm>>
        %dma_start3A_287 = tpu.memref_slice %arg10[%dma_start3A_276] : memref<4x!tpu.dma_semaphore, #tpu.memory_space<semaphore_mem>> -> memref<1x!tpu.dma_semaphore, #tpu.memory_space<semaphore_mem>>
        %dma_start3A_288 = tpu.memref_squeeze %dma_start3A_287 : memref<1x!tpu.dma_semaphore, #tpu.memory_space<semaphore_mem>> -> memref<!tpu.dma_semaphore, #tpu.memory_space<semaphore_mem>>
        tpu.enqueue_indirect_dma source(%dma_start3A_286 : memref<10000x64xf32, #tpu.memory_space<hbm>>) target(%dma_start3A_280 : memref<128x64xf32, #tpu.memory_space<vmem>>) offsets(%dma_start3A_283 : memref<128xi32, #tpu.memory_space<vmem>>) semaphore(%dma_start3A_288 : memref<!tpu.dma_semaphore, #tpu.memory_space<semaphore_mem>>)
      } else {
      }
    }
    %scan3A_92 = arith.constant 19 : i32
    %gt3A = arith.constant 76 : i32
    %gt3A_93 = arith.cmpi sgt, %add3A_11, %gt3A : i32
    %convert_element_type3A = arith.extui %gt3A_93 : i1 to i32
    %cond3A = arith.constant 0 : i32
    %cond3A_94 = arith.cmpi ne, %convert_element_type3A, %cond3A : i32
    scf.if %cond3A_94 {
      %dma_wait3A_171 = arith.constant 0 : i32
      %dma_wait3A_172 = arith.constant 0 : i32
      %dma_wait3A_173 = arith.constant 0 : i32
      %dma_wait3A_174 = arith.constant 0 : i32
      %dma_wait3A_175 = arith.constant 0 : i32
      %dma_wait3A_176 = tpu.memref_slice %arg7[%dma_wait3A_172, %dma_wait3A_174, %dma_wait3A_175] : memref<4x128x64xf32, #tpu.memory_space<vmem>> -> memref<1x128x64xf32, #tpu.memory_space<vmem>>
      %dma_wait3A_177 = tpu.memref_squeeze %dma_wait3A_176 : memref<1x128x64xf32, #tpu.memory_space<vmem>> -> memref<128x64xf32, #tpu.memory_space<vmem>>
      %dma_wait3A_178 = arith.constant 0 : i32
      %dma_wait3A_179 = tpu.memref_slice %arg5[%dma_wait3A_171, %dma_wait3A_178] : memref<79x128xi32, #tpu.memory_space<vmem>> -> memref<1x128xi32, #tpu.memory_space<vmem>>
      %dma_wait3A_180 = tpu.memref_squeeze %dma_wait3A_179 : memref<1x128xi32, #tpu.memory_space<vmem>> -> memref<128xi32, #tpu.memory_space<vmem>>
      %dma_wait3A_181 = arith.constant 0 : i32
      %dma_wait3A_182 = arith.constant 0 : i32
      %dma_wait3A_183 = tpu.memref_slice %arg2[%dma_wait3A_181, %dma_wait3A_182] : memref<10000x64xf32, #tpu.memory_space<hbm>> -> memref<10000x64xf32, #tpu.memory_space<hbm>>
      %dma_wait3A_184 = tpu.memref_slice %arg10[%dma_wait3A_173] : memref<4x!tpu.dma_semaphore, #tpu.memory_space<semaphore_mem>> -> memref<1x!tpu.dma_semaphore, #tpu.memory_space<semaphore_mem>>
      %dma_wait3A_185 = tpu.memref_squeeze %dma_wait3A_184 : memref<1x!tpu.dma_semaphore, #tpu.memory_space<semaphore_mem>> -> memref<!tpu.dma_semaphore, #tpu.memory_space<semaphore_mem>>
      tpu.wait_indirect_dma semaphore(%dma_wait3A_185 : memref<!tpu.dma_semaphore, #tpu.memory_space<semaphore_mem>>) src(%dma_wait3A_183 : memref<10000x64xf32, #tpu.memory_space<hbm>>) dst(%dma_wait3A_177 : memref<128x64xf32, #tpu.memory_space<vmem>>)
      %run_scoped3A_186 = arith.constant 0 : i32
      %run_scoped3A_187 = arith.constant 76 : i32
      "tpu.region"() ({
        %run_scoped3A_193 = tpu.sem_alloc : memref<!tpu.dma_semaphore, #tpu.memory_space<semaphore_mem>>
        %dma_start3A_194 = arith.constant 0 : i32
        %dma_start3A_195 = arith.constant 0 : i32
        %dma_start3A_196 = tpu.memref_slice %arg7[%run_scoped3A_186, %dma_start3A_194, %dma_start3A_195] : memref<4x128x64xf32, #tpu.memory_space<vmem>> -> memref<1x128x64xf32, #tpu.memory_space<vmem>>
        %dma_start3A_197 = tpu.memref_squeeze %dma_start3A_196 : memref<1x128x64xf32, #tpu.memory_space<vmem>> -> memref<128x64xf32, #tpu.memory_space<vmem>>
        %dma_start3A_198 = arith.constant 0 : i32
        %dma_start3A_199 = tpu.memref_slice %arg6[%run_scoped3A_187, %dma_start3A_198] : memref<79x128xi32, #tpu.memory_space<vmem>> -> memref<1x128xi32, #tpu.memory_space<vmem>>
        %dma_start3A_200 = tpu.memref_squeeze %dma_start3A_199 : memref<1x128xi32, #tpu.memory_space<vmem>> -> memref<128xi32, #tpu.memory_space<vmem>>
        %dma_start3A_201 = arith.constant 0 : i32
        %dma_start3A_202 = arith.constant 0 : i32
        %dma_start3A_203 = tpu.memref_slice %arg9[%dma_start3A_201, %dma_start3A_202] : memref<10240x64xf32, #tpu.memory_space<vmem_shared>> -> memref<10240x64xf32, #tpu.memory_space<vmem_shared>>
        tpu.enqueue_indirect_dma source(%dma_start3A_197 : memref<128x64xf32, #tpu.memory_space<vmem>>) target(%dma_start3A_203 : memref<10240x64xf32, #tpu.memory_space<vmem_shared>>) offsets(%dma_start3A_200 : memref<128xi32, #tpu.memory_space<vmem>>) semaphore(%run_scoped3A_193 : memref<!tpu.dma_semaphore, #tpu.memory_space<semaphore_mem>>) {add = true}
        %dma_wait3A_204 = arith.constant 0 : i32
        %dma_wait3A_205 = arith.constant 0 : i32
        %dma_wait3A_206 = tpu.memref_slice %arg7[%run_scoped3A_186, %dma_wait3A_204, %dma_wait3A_205] : memref<4x128x64xf32, #tpu.memory_space<vmem>> -> memref<1x128x64xf32, #tpu.memory_space<vmem>>
        %dma_wait3A_207 = tpu.memref_squeeze %dma_wait3A_206 : memref<1x128x64xf32, #tpu.memory_space<vmem>> -> memref<128x64xf32, #tpu.memory_space<vmem>>
        %dma_wait3A_208 = arith.constant 0 : i32
        %dma_wait3A_209 = tpu.memref_slice %arg6[%run_scoped3A_187, %dma_wait3A_208] : memref<79x128xi32, #tpu.memory_space<vmem>> -> memref<1x128xi32, #tpu.memory_space<vmem>>
        %dma_wait3A_210 = tpu.memref_squeeze %dma_wait3A_209 : memref<1x128xi32, #tpu.memory_space<vmem>> -> memref<128xi32, #tpu.memory_space<vmem>>
        %dma_wait3A_211 = arith.constant 0 : i32
        %dma_wait3A_212 = arith.constant 0 : i32
        %dma_wait3A_213 = tpu.memref_slice %arg9[%dma_wait3A_211, %dma_wait3A_212] : memref<10240x64xf32, #tpu.memory_space<vmem_shared>> -> memref<10240x64xf32, #tpu.memory_space<vmem_shared>>
        tpu.wait_indirect_dma semaphore(%run_scoped3A_193 : memref<!tpu.dma_semaphore, #tpu.memory_space<semaphore_mem>>) src(%dma_wait3A_207 : memref<128x64xf32, #tpu.memory_space<vmem>>) dst(%dma_wait3A_213 : memref<10240x64xf32, #tpu.memory_space<vmem_shared>>)
        tpu.yield
      }) : () -> ()
      %gt3A_188 = arith.constant 80 : i32
      %gt3A_189 = arith.cmpi sgt, %add3A_11, %gt3A_188 : i32
      %convert_element_type3A_190 = arith.extui %gt3A_189 : i1 to i32
      %cond3A_191 = arith.constant 0 : i32
      %cond3A_192 = arith.cmpi ne, %convert_element_type3A_190, %cond3A_191 : i32
      scf.if %cond3A_192 {
        %dma_start3A_193 = arith.constant 80 : i32
        %dma_start3A_194 = arith.constant 0 : i32
        %dma_start3A_195 = arith.constant 0 : i32
        %dma_start3A_196 = arith.constant 0 : i32
        %dma_start3A_197 = arith.constant 0 : i32
        %dma_start3A_198 = tpu.memref_slice %arg7[%dma_start3A_194, %dma_start3A_196, %dma_start3A_197] : memref<4x128x64xf32, #tpu.memory_space<vmem>> -> memref<1x128x64xf32, #tpu.memory_space<vmem>>
        %dma_start3A_199 = tpu.memref_squeeze %dma_start3A_198 : memref<1x128x64xf32, #tpu.memory_space<vmem>> -> memref<128x64xf32, #tpu.memory_space<vmem>>
        %dma_start3A_200 = arith.constant 0 : i32
        %dma_start3A_201 = tpu.memref_slice %arg5[%dma_start3A_193, %dma_start3A_200] : memref<79x128xi32, #tpu.memory_space<vmem>> -> memref<1x128xi32, #tpu.memory_space<vmem>>
        %dma_start3A_202 = tpu.memref_squeeze %dma_start3A_201 : memref<1x128xi32, #tpu.memory_space<vmem>> -> memref<128xi32, #tpu.memory_space<vmem>>
        %dma_start3A_203 = arith.constant 0 : i32
        %dma_start3A_204 = arith.constant 0 : i32
        %dma_start3A_205 = tpu.memref_slice %arg2[%dma_start3A_203, %dma_start3A_204] : memref<10000x64xf32, #tpu.memory_space<hbm>> -> memref<10000x64xf32, #tpu.memory_space<hbm>>
        %dma_start3A_206 = tpu.memref_slice %arg10[%dma_start3A_195] : memref<4x!tpu.dma_semaphore, #tpu.memory_space<semaphore_mem>> -> memref<1x!tpu.dma_semaphore, #tpu.memory_space<semaphore_mem>>
        %dma_start3A_207 = tpu.memref_squeeze %dma_start3A_206 : memref<1x!tpu.dma_semaphore, #tpu.memory_space<semaphore_mem>> -> memref<!tpu.dma_semaphore, #tpu.memory_space<semaphore_mem>>
        tpu.enqueue_indirect_dma source(%dma_start3A_205 : memref<10000x64xf32, #tpu.memory_space<hbm>>) target(%dma_start3A_199 : memref<128x64xf32, #tpu.memory_space<vmem>>) offsets(%dma_start3A_202 : memref<128xi32, #tpu.memory_space<vmem>>) semaphore(%dma_start3A_207 : memref<!tpu.dma_semaphore, #tpu.memory_space<semaphore_mem>>)
      } else {
      }
    } else {
    }
    %gt3A_95 = arith.constant 77 : i32
    %gt3A_96 = arith.cmpi sgt, %add3A_11, %gt3A_95 : i32
    %convert_element_type3A_97 = arith.extui %gt3A_96 : i1 to i32
    %cond3A_98 = arith.constant 0 : i32
    %cond3A_99 = arith.cmpi ne, %convert_element_type3A_97, %cond3A_98 : i32
    scf.if %cond3A_99 {
      %dma_wait3A_171 = arith.constant 1 : i32
      %dma_wait3A_172 = arith.constant 1 : i32
      %dma_wait3A_173 = arith.constant 1 : i32
      %dma_wait3A_174 = arith.constant 0 : i32
      %dma_wait3A_175 = arith.constant 0 : i32
      %dma_wait3A_176 = tpu.memref_slice %arg7[%dma_wait3A_172, %dma_wait3A_174, %dma_wait3A_175] : memref<4x128x64xf32, #tpu.memory_space<vmem>> -> memref<1x128x64xf32, #tpu.memory_space<vmem>>
      %dma_wait3A_177 = tpu.memref_squeeze %dma_wait3A_176 : memref<1x128x64xf32, #tpu.memory_space<vmem>> -> memref<128x64xf32, #tpu.memory_space<vmem>>
      %dma_wait3A_178 = arith.constant 0 : i32
      %dma_wait3A_179 = tpu.memref_slice %arg5[%dma_wait3A_171, %dma_wait3A_178] : memref<79x128xi32, #tpu.memory_space<vmem>> -> memref<1x128xi32, #tpu.memory_space<vmem>>
      %dma_wait3A_180 = tpu.memref_squeeze %dma_wait3A_179 : memref<1x128xi32, #tpu.memory_space<vmem>> -> memref<128xi32, #tpu.memory_space<vmem>>
      %dma_wait3A_181 = arith.constant 0 : i32
      %dma_wait3A_182 = arith.constant 0 : i32
      %dma_wait3A_183 = tpu.memref_slice %arg2[%dma_wait3A_181, %dma_wait3A_182] : memref<10000x64xf32, #tpu.memory_space<hbm>> -> memref<10000x64xf32, #tpu.memory_space<hbm>>
      %dma_wait3A_184 = tpu.memref_slice %arg10[%dma_wait3A_173] : memref<4x!tpu.dma_semaphore, #tpu.memory_space<semaphore_mem>> -> memref<1x!tpu.dma_semaphore, #tpu.memory_space<semaphore_mem>>
      %dma_wait3A_185 = tpu.memref_squeeze %dma_wait3A_184 : memref<1x!tpu.dma_semaphore, #tpu.memory_space<semaphore_mem>> -> memref<!tpu.dma_semaphore, #tpu.memory_space<semaphore_mem>>
      tpu.wait_indirect_dma semaphore(%dma_wait3A_185 : memref<!tpu.dma_semaphore, #tpu.memory_space<semaphore_mem>>) src(%dma_wait3A_183 : memref<10000x64xf32, #tpu.memory_space<hbm>>) dst(%dma_wait3A_177 : memref<128x64xf32, #tpu.memory_space<vmem>>)
      %run_scoped3A_186 = arith.constant 1 : i32
      %run_scoped3A_187 = arith.constant 77 : i32
      "tpu.region"() ({
        %run_scoped3A_193 = tpu.sem_alloc : memref<!tpu.dma_semaphore, #tpu.memory_space<semaphore_mem>>
        %dma_start3A_194 = arith.constant 0 : i32
        %dma_start3A_195 = arith.constant 0 : i32
        %dma_start3A_196 = tpu.memref_slice %arg7[%run_scoped3A_186, %dma_start3A_194, %dma_start3A_195] : memref<4x128x64xf32, #tpu.memory_space<vmem>> -> memref<1x128x64xf32, #tpu.memory_space<vmem>>
        %dma_start3A_197 = tpu.memref_squeeze %dma_start3A_196 : memref<1x128x64xf32, #tpu.memory_space<vmem>> -> memref<128x64xf32, #tpu.memory_space<vmem>>
        %dma_start3A_198 = arith.constant 0 : i32
        %dma_start3A_199 = tpu.memref_slice %arg6[%run_scoped3A_187, %dma_start3A_198] : memref<79x128xi32, #tpu.memory_space<vmem>> -> memref<1x128xi32, #tpu.memory_space<vmem>>
        %dma_start3A_200 = tpu.memref_squeeze %dma_start3A_199 : memref<1x128xi32, #tpu.memory_space<vmem>> -> memref<128xi32, #tpu.memory_space<vmem>>
        %dma_start3A_201 = arith.constant 0 : i32
        %dma_start3A_202 = arith.constant 0 : i32
        %dma_start3A_203 = tpu.memref_slice %arg9[%dma_start3A_201, %dma_start3A_202] : memref<10240x64xf32, #tpu.memory_space<vmem_shared>> -> memref<10240x64xf32, #tpu.memory_space<vmem_shared>>
        tpu.enqueue_indirect_dma source(%dma_start3A_197 : memref<128x64xf32, #tpu.memory_space<vmem>>) target(%dma_start3A_203 : memref<10240x64xf32, #tpu.memory_space<vmem_shared>>) offsets(%dma_start3A_200 : memref<128xi32, #tpu.memory_space<vmem>>) semaphore(%run_scoped3A_193 : memref<!tpu.dma_semaphore, #tpu.memory_space<semaphore_mem>>) {add = true}
        %dma_wait3A_204 = arith.constant 0 : i32
        %dma_wait3A_205 = arith.constant 0 : i32
        %dma_wait3A_206 = tpu.memref_slice %arg7[%run_scoped3A_186, %dma_wait3A_204, %dma_wait3A_205] : memref<4x128x64xf32, #tpu.memory_space<vmem>> -> memref<1x128x64xf32, #tpu.memory_space<vmem>>
        %dma_wait3A_207 = tpu.memref_squeeze %dma_wait3A_206 : memref<1x128x64xf32, #tpu.memory_space<vmem>> -> memref<128x64xf32, #tpu.memory_space<vmem>>
        %dma_wait3A_208 = arith.constant 0 : i32
        %dma_wait3A_209 = tpu.memref_slice %arg6[%run_scoped3A_187, %dma_wait3A_208] : memref<79x128xi32, #tpu.memory_space<vmem>> -> memref<1x128xi32, #tpu.memory_space<vmem>>
        %dma_wait3A_210 = tpu.memref_squeeze %dma_wait3A_209 : memref<1x128xi32, #tpu.memory_space<vmem>> -> memref<128xi32, #tpu.memory_space<vmem>>
        %dma_wait3A_211 = arith.constant 0 : i32
        %dma_wait3A_212 = arith.constant 0 : i32
        %dma_wait3A_213 = tpu.memref_slice %arg9[%dma_wait3A_211, %dma_wait3A_212] : memref<10240x64xf32, #tpu.memory_space<vmem_shared>> -> memref<10240x64xf32, #tpu.memory_space<vmem_shared>>
        tpu.wait_indirect_dma semaphore(%run_scoped3A_193 : memref<!tpu.dma_semaphore, #tpu.memory_space<semaphore_mem>>) src(%dma_wait3A_207 : memref<128x64xf32, #tpu.memory_space<vmem>>) dst(%dma_wait3A_213 : memref<10240x64xf32, #tpu.memory_space<vmem_shared>>)
        tpu.yield
      }) : () -> ()
      %gt3A_188 = arith.constant 81 : i32
      %gt3A_189 = arith.cmpi sgt, %add3A_11, %gt3A_188 : i32
      %convert_element_type3A_190 = arith.extui %gt3A_189 : i1 to i32
      %cond3A_191 = arith.constant 0 : i32
      %cond3A_192 = arith.cmpi ne, %convert_element_type3A_190, %cond3A_191 : i32
      scf.if %cond3A_192 {
        %dma_start3A_193 = arith.constant 81 : i32
        %dma_start3A_194 = arith.constant 1 : i32
        %dma_start3A_195 = arith.constant 1 : i32
        %dma_start3A_196 = arith.constant 0 : i32
        %dma_start3A_197 = arith.constant 0 : i32
        %dma_start3A_198 = tpu.memref_slice %arg7[%dma_start3A_194, %dma_start3A_196, %dma_start3A_197] : memref<4x128x64xf32, #tpu.memory_space<vmem>> -> memref<1x128x64xf32, #tpu.memory_space<vmem>>
        %dma_start3A_199 = tpu.memref_squeeze %dma_start3A_198 : memref<1x128x64xf32, #tpu.memory_space<vmem>> -> memref<128x64xf32, #tpu.memory_space<vmem>>
        %dma_start3A_200 = arith.constant 0 : i32
        %dma_start3A_201 = tpu.memref_slice %arg5[%dma_start3A_193, %dma_start3A_200] : memref<79x128xi32, #tpu.memory_space<vmem>> -> memref<1x128xi32, #tpu.memory_space<vmem>>
        %dma_start3A_202 = tpu.memref_squeeze %dma_start3A_201 : memref<1x128xi32, #tpu.memory_space<vmem>> -> memref<128xi32, #tpu.memory_space<vmem>>
        %dma_start3A_203 = arith.constant 0 : i32
        %dma_start3A_204 = arith.constant 0 : i32
        %dma_start3A_205 = tpu.memref_slice %arg2[%dma_start3A_203, %dma_start3A_204] : memref<10000x64xf32, #tpu.memory_space<hbm>> -> memref<10000x64xf32, #tpu.memory_space<hbm>>
        %dma_start3A_206 = tpu.memref_slice %arg10[%dma_start3A_195] : memref<4x!tpu.dma_semaphore, #tpu.memory_space<semaphore_mem>> -> memref<1x!tpu.dma_semaphore, #tpu.memory_space<semaphore_mem>>
        %dma_start3A_207 = tpu.memref_squeeze %dma_start3A_206 : memref<1x!tpu.dma_semaphore, #tpu.memory_space<semaphore_mem>> -> memref<!tpu.dma_semaphore, #tpu.memory_space<semaphore_mem>>
        tpu.enqueue_indirect_dma source(%dma_start3A_205 : memref<10000x64xf32, #tpu.memory_space<hbm>>) target(%dma_start3A_199 : memref<128x64xf32, #tpu.memory_space<vmem>>) offsets(%dma_start3A_202 : memref<128xi32, #tpu.memory_space<vmem>>) semaphore(%dma_start3A_207 : memref<!tpu.dma_semaphore, #tpu.memory_space<semaphore_mem>>)
      } else {
      }
    } else {
    }
    %gt3A_100 = arith.constant 78 : i32
    %gt3A_101 = arith.cmpi sgt, %add3A_11, %gt3A_100 : i32
    %convert_element_type3A_102 = arith.extui %gt3A_101 : i1 to i32
    %cond3A_103 = arith.constant 0 : i32
    %cond3A_104 = arith.cmpi ne, %convert_element_type3A_102, %cond3A_103 : i32
    scf.if %cond3A_104 {
      %dma_wait3A_171 = arith.constant 2 : i32
      %dma_wait3A_172 = arith.constant 2 : i32
      %dma_wait3A_173 = arith.constant 2 : i32
      %dma_wait3A_174 = arith.constant 0 : i32
      %dma_wait3A_175 = arith.constant 0 : i32
      %dma_wait3A_176 = tpu.memref_slice %arg7[%dma_wait3A_172, %dma_wait3A_174, %dma_wait3A_175] : memref<4x128x64xf32, #tpu.memory_space<vmem>> -> memref<1x128x64xf32, #tpu.memory_space<vmem>>
      %dma_wait3A_177 = tpu.memref_squeeze %dma_wait3A_176 : memref<1x128x64xf32, #tpu.memory_space<vmem>> -> memref<128x64xf32, #tpu.memory_space<vmem>>
      %dma_wait3A_178 = arith.constant 0 : i32
      %dma_wait3A_179 = tpu.memref_slice %arg5[%dma_wait3A_171, %dma_wait3A_178] : memref<79x128xi32, #tpu.memory_space<vmem>> -> memref<1x128xi32, #tpu.memory_space<vmem>>
      %dma_wait3A_180 = tpu.memref_squeeze %dma_wait3A_179 : memref<1x128xi32, #tpu.memory_space<vmem>> -> memref<128xi32, #tpu.memory_space<vmem>>
      %dma_wait3A_181 = arith.constant 0 : i32
      %dma_wait3A_182 = arith.constant 0 : i32
      %dma_wait3A_183 = tpu.memref_slice %arg2[%dma_wait3A_181, %dma_wait3A_182] : memref<10000x64xf32, #tpu.memory_space<hbm>> -> memref<10000x64xf32, #tpu.memory_space<hbm>>
      %dma_wait3A_184 = tpu.memref_slice %arg10[%dma_wait3A_173] : memref<4x!tpu.dma_semaphore, #tpu.memory_space<semaphore_mem>> -> memref<1x!tpu.dma_semaphore, #tpu.memory_space<semaphore_mem>>
      %dma_wait3A_185 = tpu.memref_squeeze %dma_wait3A_184 : memref<1x!tpu.dma_semaphore, #tpu.memory_space<semaphore_mem>> -> memref<!tpu.dma_semaphore, #tpu.memory_space<semaphore_mem>>
      tpu.wait_indirect_dma semaphore(%dma_wait3A_185 : memref<!tpu.dma_semaphore, #tpu.memory_space<semaphore_mem>>) src(%dma_wait3A_183 : memref<10000x64xf32, #tpu.memory_space<hbm>>) dst(%dma_wait3A_177 : memref<128x64xf32, #tpu.memory_space<vmem>>)
      %run_scoped3A_186 = arith.constant 2 : i32
      %run_scoped3A_187 = arith.constant 78 : i32
      "tpu.region"() ({
        %run_scoped3A_193 = tpu.sem_alloc : memref<!tpu.dma_semaphore, #tpu.memory_space<semaphore_mem>>
        %dma_start3A_194 = arith.constant 0 : i32
        %dma_start3A_195 = arith.constant 0 : i32
        %dma_start3A_196 = tpu.memref_slice %arg7[%run_scoped3A_186, %dma_start3A_194, %dma_start3A_195] : memref<4x128x64xf32, #tpu.memory_space<vmem>> -> memref<1x128x64xf32, #tpu.memory_space<vmem>>
        %dma_start3A_197 = tpu.memref_squeeze %dma_start3A_196 : memref<1x128x64xf32, #tpu.memory_space<vmem>> -> memref<128x64xf32, #tpu.memory_space<vmem>>
        %dma_start3A_198 = arith.constant 0 : i32
        %dma_start3A_199 = tpu.memref_slice %arg6[%run_scoped3A_187, %dma_start3A_198] : memref<79x128xi32, #tpu.memory_space<vmem>> -> memref<1x128xi32, #tpu.memory_space<vmem>>
        %dma_start3A_200 = tpu.memref_squeeze %dma_start3A_199 : memref<1x128xi32, #tpu.memory_space<vmem>> -> memref<128xi32, #tpu.memory_space<vmem>>
        %dma_start3A_201 = arith.constant 0 : i32
        %dma_start3A_202 = arith.constant 0 : i32
        %dma_start3A_203 = tpu.memref_slice %arg9[%dma_start3A_201, %dma_start3A_202] : memref<10240x64xf32, #tpu.memory_space<vmem_shared>> -> memref<10240x64xf32, #tpu.memory_space<vmem_shared>>
        tpu.enqueue_indirect_dma source(%dma_start3A_197 : memref<128x64xf32, #tpu.memory_space<vmem>>) target(%dma_start3A_203 : memref<10240x64xf32, #tpu.memory_space<vmem_shared>>) offsets(%dma_start3A_200 : memref<128xi32, #tpu.memory_space<vmem>>) semaphore(%run_scoped3A_193 : memref<!tpu.dma_semaphore, #tpu.memory_space<semaphore_mem>>) {add = true}
        %dma_wait3A_204 = arith.constant 0 : i32
        %dma_wait3A_205 = arith.constant 0 : i32
        %dma_wait3A_206 = tpu.memref_slice %arg7[%run_scoped3A_186, %dma_wait3A_204, %dma_wait3A_205] : memref<4x128x64xf32, #tpu.memory_space<vmem>> -> memref<1x128x64xf32, #tpu.memory_space<vmem>>
        %dma_wait3A_207 = tpu.memref_squeeze %dma_wait3A_206 : memref<1x128x64xf32, #tpu.memory_space<vmem>> -> memref<128x64xf32, #tpu.memory_space<vmem>>
        %dma_wait3A_208 = arith.constant 0 : i32
        %dma_wait3A_209 = tpu.memref_slice %arg6[%run_scoped3A_187, %dma_wait3A_208] : memref<79x128xi32, #tpu.memory_space<vmem>> -> memref<1x128xi32, #tpu.memory_space<vmem>>
        %dma_wait3A_210 = tpu.memref_squeeze %dma_wait3A_209 : memref<1x128xi32, #tpu.memory_space<vmem>> -> memref<128xi32, #tpu.memory_space<vmem>>
        %dma_wait3A_211 = arith.constant 0 : i32
        %dma_wait3A_212 = arith.constant 0 : i32
        %dma_wait3A_213 = tpu.memref_slice %arg9[%dma_wait3A_211, %dma_wait3A_212] : memref<10240x64xf32, #tpu.memory_space<vmem_shared>> -> memref<10240x64xf32, #tpu.memory_space<vmem_shared>>
        tpu.wait_indirect_dma semaphore(%run_scoped3A_193 : memref<!tpu.dma_semaphore, #tpu.memory_space<semaphore_mem>>) src(%dma_wait3A_207 : memref<128x64xf32, #tpu.memory_space<vmem>>) dst(%dma_wait3A_213 : memref<10240x64xf32, #tpu.memory_space<vmem_shared>>)
        tpu.yield
      }) : () -> ()
      %gt3A_188 = arith.constant 82 : i32
      %gt3A_189 = arith.cmpi sgt, %add3A_11, %gt3A_188 : i32
      %convert_element_type3A_190 = arith.extui %gt3A_189 : i1 to i32
      %cond3A_191 = arith.constant 0 : i32
      %cond3A_192 = arith.cmpi ne, %convert_element_type3A_190, %cond3A_191 : i32
      scf.if %cond3A_192 {
        %dma_start3A_193 = arith.constant 82 : i32
        %dma_start3A_194 = arith.constant 2 : i32
        %dma_start3A_195 = arith.constant 2 : i32
        %dma_start3A_196 = arith.constant 0 : i32
        %dma_start3A_197 = arith.constant 0 : i32
        %dma_start3A_198 = tpu.memref_slice %arg7[%dma_start3A_194, %dma_start3A_196, %dma_start3A_197] : memref<4x128x64xf32, #tpu.memory_space<vmem>> -> memref<1x128x64xf32, #tpu.memory_space<vmem>>
        %dma_start3A_199 = tpu.memref_squeeze %dma_start3A_198 : memref<1x128x64xf32, #tpu.memory_space<vmem>> -> memref<128x64xf32, #tpu.memory_space<vmem>>
        %dma_start3A_200 = arith.constant 0 : i32
        %dma_start3A_201 = tpu.memref_slice %arg5[%dma_start3A_193, %dma_start3A_200] : memref<79x128xi32, #tpu.memory_space<vmem>> -> memref<1x128xi32, #tpu.memory_space<vmem>>
        %dma_start3A_202 = tpu.memref_squeeze %dma_start3A_201 : memref<1x128xi32, #tpu.memory_space<vmem>> -> memref<128xi32, #tpu.memory_space<vmem>>
        %dma_start3A_203 = arith.constant 0 : i32
        %dma_start3A_204 = arith.constant 0 : i32
        %dma_start3A_205 = tpu.memref_slice %arg2[%dma_start3A_203, %dma_start3A_204] : memref<10000x64xf32, #tpu.memory_space<hbm>> -> memref<10000x64xf32, #tpu.memory_space<hbm>>
        %dma_start3A_206 = tpu.memref_slice %arg10[%dma_start3A_195] : memref<4x!tpu.dma_semaphore, #tpu.memory_space<semaphore_mem>> -> memref<1x!tpu.dma_semaphore, #tpu.memory_space<semaphore_mem>>
        %dma_start3A_207 = tpu.memref_squeeze %dma_start3A_206 : memref<1x!tpu.dma_semaphore, #tpu.memory_space<semaphore_mem>> -> memref<!tpu.dma_semaphore, #tpu.memory_space<semaphore_mem>>
        tpu.enqueue_indirect_dma source(%dma_start3A_205 : memref<10000x64xf32, #tpu.memory_space<hbm>>) target(%dma_start3A_199 : memref<128x64xf32, #tpu.memory_space<vmem>>) offsets(%dma_start3A_202 : memref<128xi32, #tpu.memory_space<vmem>>) semaphore(%dma_start3A_207 : memref<!tpu.dma_semaphore, #tpu.memory_space<semaphore_mem>>)
      } else {
      }
    } else {
    }
    %barrier3A_105 = arith.constant 0 : index
    tpu.barrier barrier_id(%barrier3A_105)
    %sub3A_106 = arith.constant 10000 : i32
    %sub3A_107 = arith.subi %sub3A_106, %mul3A_2 : i32
    %max3A_108 = arith.constant 0 : i32
    %max3A_109 = arith.maxsi %max3A_108, %sub3A_107 : i32
    %min3A = arith.constant 640 : i32
    %min3A_110 = arith.minsi %min3A, %max3A_109 : i32
    %jit3A_111 = arith.constant 80 : i32
    %div3A = arith.divsi %min3A_110, %jit3A_111 : i32
    %sign3A = arith.constant 0 : i32
    %sign3A_112 = arith.cmpi sgt, %min3A_110, %sign3A : i32
    %sign3A_113 = arith.extui %sign3A_112 : i1 to i32
    %sign3A_114 = arith.constant 0 : i32
    %sign3A_115 = arith.cmpi slt, %min3A_110, %sign3A_114 : i32
    %sign3A_116 = arith.extui %sign3A_115 : i1 to i32
    %sign3A_117 = arith.subi %sign3A_113, %sign3A_116 : i32
    %sign3A_118 = arith.constant 0 : i32
    %sign3A_119 = arith.cmpi sgt, %jit3A_111, %sign3A_118 : i32
    %sign3A_120 = arith.extui %sign3A_119 : i1 to i32
    %sign3A_121 = arith.constant 0 : i32
    %sign3A_122 = arith.cmpi slt, %jit3A_111, %sign3A_121 : i32
    %sign3A_123 = arith.extui %sign3A_122 : i1 to i32
    %sign3A_124 = arith.subi %sign3A_120, %sign3A_123 : i32
    %ne3A = arith.cmpi ne, %sign3A_117, %sign3A_124 : i32
    %rem3A = arith.remsi %min3A_110, %jit3A_111 : i32
    %ne3A_125 = arith.constant 0 : i32
    %ne3A_126 = arith.cmpi ne, %rem3A, %ne3A_125 : i32
    %and3A = arith.andi %ne3A, %ne3A_126 : i1
    %sub3A_127 = arith.constant 1 : i32
    %sub3A_128 = arith.subi %div3A, %sub3A_127 : i32
    %select_n3A_129 = arith.select %and3A, %sub3A_128, %div3A : i32
    %scan3A_130 = arith.constant 0 : i32
    %scan3A_131 = arith.constant 0 : i32
    %scan3A_132 = arith.constant 4 : i32
    %scan3A_133 = arith.addi %scan3A_131, %scan3A_132 : i32
    %scan3A_134 = arith.constant 1 : i32
    scf.for %scan3A_171 = %scan3A_131 to %scan3A_133 step %scan3A_134  : i32 {
      %mul3A_172 = arith.constant 2 : i32
      %mul3A_173 = arith.muli %mul3A_172, %scan3A_171 : i32
      %add3A_174 = arith.constant 0 : i32
      %add3A_175 = arith.addi %mul3A_173, %add3A_174 : i32
      %lt3A = arith.cmpi slt, %add3A_175, %select_n3A_129 : i32
      %convert_element_type3A_176 = arith.extui %lt3A : i1 to i32
      %cond3A_177 = arith.constant 0 : i32
      %cond3A_178 = arith.cmpi ne, %convert_element_type3A_176, %cond3A_177 : i32
      scf.if %cond3A_178 {
        %ge3A_187 = arith.constant 2 : i32
        %ge3A_188 = arith.cmpi sge, %add3A_175, %ge3A_187 : i32
        %convert_element_type3A_189 = arith.extui %ge3A_188 : i1 to i32
        %cond3A_190 = arith.constant 0 : i32
        %cond3A_191 = arith.cmpi ne, %convert_element_type3A_189, %cond3A_190 : i32
        scf.if %cond3A_191 {
          %sub3A_214 = arith.constant 2 : i32
          %sub3A_215 = arith.subi %add3A_175, %sub3A_214 : i32
          %mul3A_216 = arith.constant 80 : i32
          %mul3A_217 = arith.muli %sub3A_215, %mul3A_216 : i32
          %add3A_218 = arith.addi %mul3A_2, %mul3A_217 : i32
          %dma_wait3A_219 = arith.constant 0 : i32
          %dma_wait3A_220 = arith.constant 0 : i32
          %dma_wait3A_221 = arith.constant 0 : i32
          %dma_wait3A_222 = arith.constant 0 : i32
          %dma_wait3A_223 = tpu.memref_slice %arg7[%dma_wait3A_219, %dma_wait3A_221, %dma_wait3A_222] : memref<4x128x64xf32, #tpu.memory_space<vmem>> -> memref<1x80x64xf32, #tpu.memory_space<vmem>>
          %dma_wait3A_224 = tpu.memref_squeeze %dma_wait3A_223 : memref<1x80x64xf32, #tpu.memory_space<vmem>> -> memref<80x64xf32, #tpu.memory_space<vmem>>
          %dma_wait3A_225 = arith.constant 0 : i32
          %dma_wait3A_226 = tpu.memref_slice %arg4[%arg0, %add3A_218, %dma_wait3A_225] : memref<2x10000x64xf32, #tpu.memory_space<hbm>> -> memref<1x80x64xf32, #tpu.memory_space<hbm>>
          %dma_wait3A_227 = tpu.memref_squeeze %dma_wait3A_226 : memref<1x80x64xf32, #tpu.memory_space<hbm>> -> memref<80x64xf32, #tpu.memory_space<hbm>>
          %dma_wait3A_228 = tpu.memref_slice %arg11[%dma_wait3A_220] : memref<2x!tpu.dma_semaphore, #tpu.memory_space<semaphore_mem>> -> memref<1x!tpu.dma_semaphore, #tpu.memory_space<semaphore_mem>>
          %dma_wait3A_229 = tpu.memref_squeeze %dma_wait3A_228 : memref<1x!tpu.dma_semaphore, #tpu.memory_space<semaphore_mem>> -> memref<!tpu.dma_semaphore, #tpu.memory_space<semaphore_mem>>
          %dma_wait3A_230 = arith.constant 0 : i32
          %dma_wait3A_231 = tpu.memref_slice %arg4[%arg0, %add3A_218, %dma_wait3A_230] : memref<2x10000x64xf32, #tpu.memory_space<hbm>> -> memref<1x80x64xf32, #tpu.memory_space<hbm>>
          %dma_wait3A_232 = tpu.memref_squeeze %dma_wait3A_231 : memref<1x80x64xf32, #tpu.memory_space<hbm>> -> memref<80x64xf32, #tpu.memory_space<hbm>>
          %dma_wait3A_233 = arith.constant 0 : i32
          %dma_wait3A_234 = arith.constant 0 : i32
          %dma_wait3A_235 = tpu.memref_slice %arg7[%dma_wait3A_219, %dma_wait3A_233, %dma_wait3A_234] : memref<4x128x64xf32, #tpu.memory_space<vmem>> -> memref<1x80x64xf32, #tpu.memory_space<vmem>>
          %dma_wait3A_236 = tpu.memref_squeeze %dma_wait3A_235 : memref<1x80x64xf32, #tpu.memory_space<vmem>> -> memref<80x64xf32, #tpu.memory_space<vmem>>
          tpu.wait_dma2 semaphore(%dma_wait3A_229 : memref<!tpu.dma_semaphore, #tpu.memory_space<semaphore_mem>>) src(%dma_wait3A_236 : memref<80x64xf32, #tpu.memory_space<vmem>>) dst(%dma_wait3A_232 : memref<80x64xf32, #tpu.memory_space<hbm>>)
        } else {
        }
        %mul3A_192 = arith.constant 80 : i32
        %mul3A_193 = arith.muli %add3A_175, %mul3A_192 : i32
        %add3A_194 = arith.addi %mul3A_2, %mul3A_193 : i32
        %run_scoped3A_195 = arith.constant 0 : i32
        "tpu.region"() ({
          %run_scoped3A_214 = tpu.sem_alloc : memref<!tpu.dma_semaphore, #tpu.memory_space<semaphore_mem>>
          %dma_start3A_215 = arith.constant 0 : i32
          %dma_start3A_216 = arith.constant 0 : i32
          %dma_start3A_217 = tpu.memref_slice %arg7[%run_scoped3A_195, %dma_start3A_215, %dma_start3A_216] : memref<4x128x64xf32, #tpu.memory_space<vmem>> -> memref<1x80x64xf32, #tpu.memory_space<vmem>>
          %dma_start3A_218 = tpu.memref_squeeze %dma_start3A_217 : memref<1x80x64xf32, #tpu.memory_space<vmem>> -> memref<80x64xf32, #tpu.memory_space<vmem>>
          %dma_start3A_219 = arith.constant 0 : i32
          %dma_start3A_220 = tpu.memref_slice %arg9[%add3A_194, %dma_start3A_219] : memref<10240x64xf32, #tpu.memory_space<vmem_shared>> -> memref<80x64xf32, #tpu.memory_space<vmem_shared>>
          %dma_start3A_221 = arith.constant 0 : i32
          %dma_start3A_222 = arith.constant 0 : i32
          %dma_start3A_223 = tpu.memref_slice %arg7[%run_scoped3A_195, %dma_start3A_221, %dma_start3A_222] : memref<4x128x64xf32, #tpu.memory_space<vmem>> -> memref<1x80x64xf32, #tpu.memory_space<vmem>>
          %dma_start3A_224 = tpu.memref_squeeze %dma_start3A_223 : memref<1x80x64xf32, #tpu.memory_space<vmem>> -> memref<80x64xf32, #tpu.memory_space<vmem>>
          %dma_start3A_225 = arith.constant 0 : i32
          %dma_start3A_226 = tpu.memref_slice %arg9[%add3A_194, %dma_start3A_225] : memref<10240x64xf32, #tpu.memory_space<vmem_shared>> -> memref<80x64xf32, #tpu.memory_space<vmem_shared>>
          tpu.enqueue_dma source(%dma_start3A_226 : memref<80x64xf32, #tpu.memory_space<vmem_shared>>) target(%dma_start3A_224 : memref<80x64xf32, #tpu.memory_space<vmem>>) target_semaphore(%run_scoped3A_214 : memref<!tpu.dma_semaphore, #tpu.memory_space<semaphore_mem>>)
          %dma_wait3A_227 = arith.constant 0 : i32
          %dma_wait3A_228 = arith.constant 0 : i32
          %dma_wait3A_229 = tpu.memref_slice %arg7[%run_scoped3A_195, %dma_wait3A_227, %dma_wait3A_228] : memref<4x128x64xf32, #tpu.memory_space<vmem>> -> memref<1x80x64xf32, #tpu.memory_space<vmem>>
          %dma_wait3A_230 = tpu.memref_squeeze %dma_wait3A_229 : memref<1x80x64xf32, #tpu.memory_space<vmem>> -> memref<80x64xf32, #tpu.memory_space<vmem>>
          %dma_wait3A_231 = arith.constant 0 : i32
          %dma_wait3A_232 = tpu.memref_slice %arg9[%add3A_194, %dma_wait3A_231] : memref<10240x64xf32, #tpu.memory_space<vmem_shared>> -> memref<80x64xf32, #tpu.memory_space<vmem_shared>>
          %dma_wait3A_233 = arith.constant 0 : i32
          %dma_wait3A_234 = arith.constant 0 : i32
          %dma_wait3A_235 = tpu.memref_slice %arg7[%run_scoped3A_195, %dma_wait3A_233, %dma_wait3A_234] : memref<4x128x64xf32, #tpu.memory_space<vmem>> -> memref<1x80x64xf32, #tpu.memory_space<vmem>>
          %dma_wait3A_236 = tpu.memref_squeeze %dma_wait3A_235 : memref<1x80x64xf32, #tpu.memory_space<vmem>> -> memref<80x64xf32, #tpu.memory_space<vmem>>
          %dma_wait3A_237 = arith.constant 0 : i32
          %dma_wait3A_238 = tpu.memref_slice %arg9[%add3A_194, %dma_wait3A_237] : memref<10240x64xf32, #tpu.memory_space<vmem_shared>> -> memref<80x64xf32, #tpu.memory_space<vmem_shared>>
          tpu.wait_dma2 semaphore(%run_scoped3A_214 : memref<!tpu.dma_semaphore, #tpu.memory_space<semaphore_mem>>) src(%dma_wait3A_238 : memref<80x64xf32, #tpu.memory_space<vmem_shared>>) dst(%dma_wait3A_236 : memref<80x64xf32, #tpu.memory_space<vmem>>)
          tpu.yield
        }) : () -> ()
        %dma_start3A_196 = arith.constant 0 : i32
        %dma_start3A_197 = arith.constant 0 : i32
        %dma_start3A_198 = arith.constant 0 : i32
        %dma_start3A_199 = arith.constant 0 : i32
        %dma_start3A_200 = tpu.memref_slice %arg7[%dma_start3A_196, %dma_start3A_198, %dma_start3A_199] : memref<4x128x64xf32, #tpu.memory_space<vmem>> -> memref<1x80x64xf32, #tpu.memory_space<vmem>>
        %dma_start3A_201 = tpu.memref_squeeze %dma_start3A_200 : memref<1x80x64xf32, #tpu.memory_space<vmem>> -> memref<80x64xf32, #tpu.memory_space<vmem>>
        %dma_start3A_202 = arith.constant 0 : i32
        %dma_start3A_203 = tpu.memref_slice %arg4[%arg0, %add3A_194, %dma_start3A_202] : memref<2x10000x64xf32, #tpu.memory_space<hbm>> -> memref<1x80x64xf32, #tpu.memory_space<hbm>>
        %dma_start3A_204 = tpu.memref_squeeze %dma_start3A_203 : memref<1x80x64xf32, #tpu.memory_space<hbm>> -> memref<80x64xf32, #tpu.memory_space<hbm>>
        %dma_start3A_205 = tpu.memref_slice %arg11[%dma_start3A_197] : memref<2x!tpu.dma_semaphore, #tpu.memory_space<semaphore_mem>> -> memref<1x!tpu.dma_semaphore, #tpu.memory_space<semaphore_mem>>
        %dma_start3A_206 = tpu.memref_squeeze %dma_start3A_205 : memref<1x!tpu.dma_semaphore, #tpu.memory_space<semaphore_mem>> -> memref<!tpu.dma_semaphore, #tpu.memory_space<semaphore_mem>>
        %dma_start3A_207 = arith.constant 0 : i32
        %dma_start3A_208 = tpu.memref_slice %arg4[%arg0, %add3A_194, %dma_start3A_207] : memref<2x10000x64xf32, #tpu.memory_space<hbm>> -> memref<1x80x64xf32, #tpu.memory_space<hbm>>
        %dma_start3A_209 = tpu.memref_squeeze %dma_start3A_208 : memref<1x80x64xf32, #tpu.memory_space<hbm>> -> memref<80x64xf32, #tpu.memory_space<hbm>>
        %dma_start3A_210 = arith.constant 0 : i32
        %dma_start3A_211 = arith.constant 0 : i32
        %dma_start3A_212 = tpu.memref_slice %arg7[%dma_start3A_196, %dma_start3A_210, %dma_start3A_211] : memref<4x128x64xf32, #tpu.memory_space<vmem>> -> memref<1x80x64xf32, #tpu.memory_space<vmem>>
        %dma_start3A_213 = tpu.memref_squeeze %dma_start3A_212 : memref<1x80x64xf32, #tpu.memory_space<vmem>> -> memref<80x64xf32, #tpu.memory_space<vmem>>
        tpu.enqueue_dma source(%dma_start3A_213 : memref<80x64xf32, #tpu.memory_space<vmem>>) target(%dma_start3A_209 : memref<80x64xf32, #tpu.memory_space<hbm>>) target_semaphore(%dma_start3A_206 : memref<!tpu.dma_semaphore, #tpu.memory_space<semaphore_mem>>)
      } else {
      }
      %mul3A_179 = arith.constant 2 : i32
      %mul3A_180 = arith.muli %mul3A_179, %scan3A_171 : i32
      %add3A_181 = arith.constant 1 : i32
      %add3A_182 = arith.addi %mul3A_180, %add3A_181 : i32
      %lt3A_183 = arith.cmpi slt, %add3A_182, %select_n3A_129 : i32
      %convert_element_type3A_184 = arith.extui %lt3A_183 : i1 to i32
      %cond3A_185 = arith.constant 0 : i32
      %cond3A_186 = arith.cmpi ne, %convert_element_type3A_184, %cond3A_185 : i32
      scf.if %cond3A_186 {
        %ge3A_187 = arith.constant 2 : i32
        %ge3A_188 = arith.cmpi sge, %add3A_182, %ge3A_187 : i32
        %convert_element_type3A_189 = arith.extui %ge3A_188 : i1 to i32
        %cond3A_190 = arith.constant 0 : i32
        %cond3A_191 = arith.cmpi ne, %convert_element_type3A_189, %cond3A_190 : i32
        scf.if %cond3A_191 {
          %sub3A_214 = arith.constant 2 : i32
          %sub3A_215 = arith.subi %add3A_182, %sub3A_214 : i32
          %mul3A_216 = arith.constant 80 : i32
          %mul3A_217 = arith.muli %sub3A_215, %mul3A_216 : i32
          %add3A_218 = arith.addi %mul3A_2, %mul3A_217 : i32
          %dma_wait3A_219 = arith.constant 1 : i32
          %dma_wait3A_220 = arith.constant 1 : i32
          %dma_wait3A_221 = arith.constant 0 : i32
          %dma_wait3A_222 = arith.constant 0 : i32
          %dma_wait3A_223 = tpu.memref_slice %arg7[%dma_wait3A_219, %dma_wait3A_221, %dma_wait3A_222] : memref<4x128x64xf32, #tpu.memory_space<vmem>> -> memref<1x80x64xf32, #tpu.memory_space<vmem>>
          %dma_wait3A_224 = tpu.memref_squeeze %dma_wait3A_223 : memref<1x80x64xf32, #tpu.memory_space<vmem>> -> memref<80x64xf32, #tpu.memory_space<vmem>>
          %dma_wait3A_225 = arith.constant 0 : i32
          %dma_wait3A_226 = tpu.memref_slice %arg4[%arg0, %add3A_218, %dma_wait3A_225] : memref<2x10000x64xf32, #tpu.memory_space<hbm>> -> memref<1x80x64xf32, #tpu.memory_space<hbm>>
          %dma_wait3A_227 = tpu.memref_squeeze %dma_wait3A_226 : memref<1x80x64xf32, #tpu.memory_space<hbm>> -> memref<80x64xf32, #tpu.memory_space<hbm>>
          %dma_wait3A_228 = tpu.memref_slice %arg11[%dma_wait3A_220] : memref<2x!tpu.dma_semaphore, #tpu.memory_space<semaphore_mem>> -> memref<1x!tpu.dma_semaphore, #tpu.memory_space<semaphore_mem>>
          %dma_wait3A_229 = tpu.memref_squeeze %dma_wait3A_228 : memref<1x!tpu.dma_semaphore, #tpu.memory_space<semaphore_mem>> -> memref<!tpu.dma_semaphore, #tpu.memory_space<semaphore_mem>>
          %dma_wait3A_230 = arith.constant 0 : i32
          %dma_wait3A_231 = tpu.memref_slice %arg4[%arg0, %add3A_218, %dma_wait3A_230] : memref<2x10000x64xf32, #tpu.memory_space<hbm>> -> memref<1x80x64xf32, #tpu.memory_space<hbm>>
          %dma_wait3A_232 = tpu.memref_squeeze %dma_wait3A_231 : memref<1x80x64xf32, #tpu.memory_space<hbm>> -> memref<80x64xf32, #tpu.memory_space<hbm>>
          %dma_wait3A_233 = arith.constant 0 : i32
          %dma_wait3A_234 = arith.constant 0 : i32
          %dma_wait3A_235 = tpu.memref_slice %arg7[%dma_wait3A_219, %dma_wait3A_233, %dma_wait3A_234] : memref<4x128x64xf32, #tpu.memory_space<vmem>> -> memref<1x80x64xf32, #tpu.memory_space<vmem>>
          %dma_wait3A_236 = tpu.memref_squeeze %dma_wait3A_235 : memref<1x80x64xf32, #tpu.memory_space<vmem>> -> memref<80x64xf32, #tpu.memory_space<vmem>>
          tpu.wait_dma2 semaphore(%dma_wait3A_229 : memref<!tpu.dma_semaphore, #tpu.memory_space<semaphore_mem>>) src(%dma_wait3A_236 : memref<80x64xf32, #tpu.memory_space<vmem>>) dst(%dma_wait3A_232 : memref<80x64xf32, #tpu.memory_space<hbm>>)
        } else {
        }
        %mul3A_192 = arith.constant 80 : i32
        %mul3A_193 = arith.muli %add3A_182, %mul3A_192 : i32
        %add3A_194 = arith.addi %mul3A_2, %mul3A_193 : i32
        %run_scoped3A_195 = arith.constant 1 : i32
        "tpu.region"() ({
          %run_scoped3A_214 = tpu.sem_alloc : memref<!tpu.dma_semaphore, #tpu.memory_space<semaphore_mem>>
          %dma_start3A_215 = arith.constant 0 : i32
          %dma_start3A_216 = arith.constant 0 : i32
          %dma_start3A_217 = tpu.memref_slice %arg7[%run_scoped3A_195, %dma_start3A_215, %dma_start3A_216] : memref<4x128x64xf32, #tpu.memory_space<vmem>> -> memref<1x80x64xf32, #tpu.memory_space<vmem>>
          %dma_start3A_218 = tpu.memref_squeeze %dma_start3A_217 : memref<1x80x64xf32, #tpu.memory_space<vmem>> -> memref<80x64xf32, #tpu.memory_space<vmem>>
          %dma_start3A_219 = arith.constant 0 : i32
          %dma_start3A_220 = tpu.memref_slice %arg9[%add3A_194, %dma_start3A_219] : memref<10240x64xf32, #tpu.memory_space<vmem_shared>> -> memref<80x64xf32, #tpu.memory_space<vmem_shared>>
          %dma_start3A_221 = arith.constant 0 : i32
          %dma_start3A_222 = arith.constant 0 : i32
          %dma_start3A_223 = tpu.memref_slice %arg7[%run_scoped3A_195, %dma_start3A_221, %dma_start3A_222] : memref<4x128x64xf32, #tpu.memory_space<vmem>> -> memref<1x80x64xf32, #tpu.memory_space<vmem>>
          %dma_start3A_224 = tpu.memref_squeeze %dma_start3A_223 : memref<1x80x64xf32, #tpu.memory_space<vmem>> -> memref<80x64xf32, #tpu.memory_space<vmem>>
          %dma_start3A_225 = arith.constant 0 : i32
          %dma_start3A_226 = tpu.memref_slice %arg9[%add3A_194, %dma_start3A_225] : memref<10240x64xf32, #tpu.memory_space<vmem_shared>> -> memref<80x64xf32, #tpu.memory_space<vmem_shared>>
          tpu.enqueue_dma source(%dma_start3A_226 : memref<80x64xf32, #tpu.memory_space<vmem_shared>>) target(%dma_start3A_224 : memref<80x64xf32, #tpu.memory_space<vmem>>) target_semaphore(%run_scoped3A_214 : memref<!tpu.dma_semaphore, #tpu.memory_space<semaphore_mem>>)
          %dma_wait3A_227 = arith.constant 0 : i32
          %dma_wait3A_228 = arith.constant 0 : i32
          %dma_wait3A_229 = tpu.memref_slice %arg7[%run_scoped3A_195, %dma_wait3A_227, %dma_wait3A_228] : memref<4x128x64xf32, #tpu.memory_space<vmem>> -> memref<1x80x64xf32, #tpu.memory_space<vmem>>
          %dma_wait3A_230 = tpu.memref_squeeze %dma_wait3A_229 : memref<1x80x64xf32, #tpu.memory_space<vmem>> -> memref<80x64xf32, #tpu.memory_space<vmem>>
          %dma_wait3A_231 = arith.constant 0 : i32
          %dma_wait3A_232 = tpu.memref_slice %arg9[%add3A_194, %dma_wait3A_231] : memref<10240x64xf32, #tpu.memory_space<vmem_shared>> -> memref<80x64xf32, #tpu.memory_space<vmem_shared>>
          %dma_wait3A_233 = arith.constant 0 : i32
          %dma_wait3A_234 = arith.constant 0 : i32
          %dma_wait3A_235 = tpu.memref_slice %arg7[%run_scoped3A_195, %dma_wait3A_233, %dma_wait3A_234] : memref<4x128x64xf32, #tpu.memory_space<vmem>> -> memref<1x80x64xf32, #tpu.memory_space<vmem>>
          %dma_wait3A_236 = tpu.memref_squeeze %dma_wait3A_235 : memref<1x80x64xf32, #tpu.memory_space<vmem>> -> memref<80x64xf32, #tpu.memory_space<vmem>>
          %dma_wait3A_237 = arith.constant 0 : i32
          %dma_wait3A_238 = tpu.memref_slice %arg9[%add3A_194, %dma_wait3A_237] : memref<10240x64xf32, #tpu.memory_space<vmem_shared>> -> memref<80x64xf32, #tpu.memory_space<vmem_shared>>
          tpu.wait_dma2 semaphore(%run_scoped3A_214 : memref<!tpu.dma_semaphore, #tpu.memory_space<semaphore_mem>>) src(%dma_wait3A_238 : memref<80x64xf32, #tpu.memory_space<vmem_shared>>) dst(%dma_wait3A_236 : memref<80x64xf32, #tpu.memory_space<vmem>>)
          tpu.yield
        }) : () -> ()
        %dma_start3A_196 = arith.constant 1 : i32
        %dma_start3A_197 = arith.constant 1 : i32
        %dma_start3A_198 = arith.constant 0 : i32
        %dma_start3A_199 = arith.constant 0 : i32
        %dma_start3A_200 = tpu.memref_slice %arg7[%dma_start3A_196, %dma_start3A_198, %dma_start3A_199] : memref<4x128x64xf32, #tpu.memory_space<vmem>> -> memref<1x80x64xf32, #tpu.memory_space<vmem>>
        %dma_start3A_201 = tpu.memref_squeeze %dma_start3A_200 : memref<1x80x64xf32, #tpu.memory_space<vmem>> -> memref<80x64xf32, #tpu.memory_space<vmem>>
        %dma_start3A_202 = arith.constant 0 : i32
        %dma_start3A_203 = tpu.memref_slice %arg4[%arg0, %add3A_194, %dma_start3A_202] : memref<2x10000x64xf32, #tpu.memory_space<hbm>> -> memref<1x80x64xf32, #tpu.memory_space<hbm>>
        %dma_start3A_204 = tpu.memref_squeeze %dma_start3A_203 : memref<1x80x64xf32, #tpu.memory_space<hbm>> -> memref<80x64xf32, #tpu.memory_space<hbm>>
        %dma_start3A_205 = tpu.memref_slice %arg11[%dma_start3A_197] : memref<2x!tpu.dma_semaphore, #tpu.memory_space<semaphore_mem>> -> memref<1x!tpu.dma_semaphore, #tpu.memory_space<semaphore_mem>>
        %dma_start3A_206 = tpu.memref_squeeze %dma_start3A_205 : memref<1x!tpu.dma_semaphore, #tpu.memory_space<semaphore_mem>> -> memref<!tpu.dma_semaphore, #tpu.memory_space<semaphore_mem>>
        %dma_start3A_207 = arith.constant 0 : i32
        %dma_start3A_208 = tpu.memref_slice %arg4[%arg0, %add3A_194, %dma_start3A_207] : memref<2x10000x64xf32, #tpu.memory_space<hbm>> -> memref<1x80x64xf32, #tpu.memory_space<hbm>>
        %dma_start3A_209 = tpu.memref_squeeze %dma_start3A_208 : memref<1x80x64xf32, #tpu.memory_space<hbm>> -> memref<80x64xf32, #tpu.memory_space<hbm>>
        %dma_start3A_210 = arith.constant 0 : i32
        %dma_start3A_211 = arith.constant 0 : i32
        %dma_start3A_212 = tpu.memref_slice %arg7[%dma_start3A_196, %dma_start3A_210, %dma_start3A_211] : memref<4x128x64xf32, #tpu.memory_space<vmem>> -> memref<1x80x64xf32, #tpu.memory_space<vmem>>
        %dma_start3A_213 = tpu.memref_squeeze %dma_start3A_212 : memref<1x80x64xf32, #tpu.memory_space<vmem>> -> memref<80x64xf32, #tpu.memory_space<vmem>>
        tpu.enqueue_dma source(%dma_start3A_213 : memref<80x64xf32, #tpu.memory_space<vmem>>) target(%dma_start3A_209 : memref<80x64xf32, #tpu.memory_space<hbm>>) target_semaphore(%dma_start3A_206 : memref<!tpu.dma_semaphore, #tpu.memory_space<semaphore_mem>>)
      } else {
      }
    }
    %scan3A_135 = arith.constant 4 : i32
    %dma_wait3A = arith.constant 0 : i32
    %dma_wait3A_136 = arith.constant 0 : i32
    %dma_wait3A_137 = arith.constant 0 : i32
    %dma_wait3A_138 = arith.constant 0 : i32
    %dma_wait3A_139 = tpu.memref_slice %arg7[%dma_wait3A, %dma_wait3A_137, %dma_wait3A_138] : memref<4x128x64xf32, #tpu.memory_space<vmem>> -> memref<1x80x64xf32, #tpu.memory_space<vmem>>
    %dma_wait3A_140 = tpu.memref_squeeze %dma_wait3A_139 : memref<1x80x64xf32, #tpu.memory_space<vmem>> -> memref<80x64xf32, #tpu.memory_space<vmem>>
    %dma_wait3A_141 = arith.constant 0 : i32
    %dma_wait3A_142 = tpu.memref_slice %arg4[%arg0, %mul3A_2, %dma_wait3A_141] : memref<2x10000x64xf32, #tpu.memory_space<hbm>> -> memref<1x80x64xf32, #tpu.memory_space<hbm>>
    %dma_wait3A_143 = tpu.memref_squeeze %dma_wait3A_142 : memref<1x80x64xf32, #tpu.memory_space<hbm>> -> memref<80x64xf32, #tpu.memory_space<hbm>>
    %dma_wait3A_144 = tpu.memref_slice %arg11[%dma_wait3A_136] : memref<2x!tpu.dma_semaphore, #tpu.memory_space<semaphore_mem>> -> memref<1x!tpu.dma_semaphore, #tpu.memory_space<semaphore_mem>>
    %dma_wait3A_145 = tpu.memref_squeeze %dma_wait3A_144 : memref<1x!tpu.dma_semaphore, #tpu.memory_space<semaphore_mem>> -> memref<!tpu.dma_semaphore, #tpu.memory_space<semaphore_mem>>
    %dma_wait3A_146 = arith.constant 0 : i32
    %dma_wait3A_147 = tpu.memref_slice %arg4[%arg0, %mul3A_2, %dma_wait3A_146] : memref<2x10000x64xf32, #tpu.memory_space<hbm>> -> memref<1x80x64xf32, #tpu.memory_space<hbm>>
    %dma_wait3A_148 = tpu.memref_squeeze %dma_wait3A_147 : memref<1x80x64xf32, #tpu.memory_space<hbm>> -> memref<80x64xf32, #tpu.memory_space<hbm>>
    %dma_wait3A_149 = arith.constant 0 : i32
    %dma_wait3A_150 = arith.constant 0 : i32
    %dma_wait3A_151 = tpu.memref_slice %arg7[%dma_wait3A, %dma_wait3A_149, %dma_wait3A_150] : memref<4x128x64xf32, #tpu.memory_space<vmem>> -> memref<1x80x64xf32, #tpu.memory_space<vmem>>
    %dma_wait3A_152 = tpu.memref_squeeze %dma_wait3A_151 : memref<1x80x64xf32, #tpu.memory_space<vmem>> -> memref<80x64xf32, #tpu.memory_space<vmem>>
    tpu.wait_dma2 semaphore(%dma_wait3A_145 : memref<!tpu.dma_semaphore, #tpu.memory_space<semaphore_mem>>) src(%dma_wait3A_152 : memref<80x64xf32, #tpu.memory_space<vmem>>) dst(%dma_wait3A_148 : memref<80x64xf32, #tpu.memory_space<hbm>>)
    %dma_wait3A_153 = arith.constant 1 : i32
    %dma_wait3A_154 = arith.constant 1 : i32
    %dma_wait3A_155 = arith.constant 0 : i32
    %dma_wait3A_156 = arith.constant 0 : i32
    %dma_wait3A_157 = tpu.memref_slice %arg7[%dma_wait3A_153, %dma_wait3A_155, %dma_wait3A_156] : memref<4x128x64xf32, #tpu.memory_space<vmem>> -> memref<1x80x64xf32, #tpu.memory_space<vmem>>
    %dma_wait3A_158 = tpu.memref_squeeze %dma_wait3A_157 : memref<1x80x64xf32, #tpu.memory_space<vmem>> -> memref<80x64xf32, #tpu.memory_space<vmem>>
    %dma_wait3A_159 = arith.constant 0 : i32
    %dma_wait3A_160 = tpu.memref_slice %arg4[%arg0, %mul3A_2, %dma_wait3A_159] : memref<2x10000x64xf32, #tpu.memory_space<hbm>> -> memref<1x80x64xf32, #tpu.memory_space<hbm>>
    %dma_wait3A_161 = tpu.memref_squeeze %dma_wait3A_160 : memref<1x80x64xf32, #tpu.memory_space<hbm>> -> memref<80x64xf32, #tpu.memory_space<hbm>>
    %dma_wait3A_162 = tpu.memref_slice %arg11[%dma_wait3A_154] : memref<2x!tpu.dma_semaphore, #tpu.memory_space<semaphore_mem>> -> memref<1x!tpu.dma_semaphore, #tpu.memory_space<semaphore_mem>>
    %dma_wait3A_163 = tpu.memref_squeeze %dma_wait3A_162 : memref<1x!tpu.dma_semaphore, #tpu.memory_space<semaphore_mem>> -> memref<!tpu.dma_semaphore, #tpu.memory_space<semaphore_mem>>
    %dma_wait3A_164 = arith.constant 0 : i32
    %dma_wait3A_165 = tpu.memref_slice %arg4[%arg0, %mul3A_2, %dma_wait3A_164] : memref<2x10000x64xf32, #tpu.memory_space<hbm>> -> memref<1x80x64xf32, #tpu.memory_space<hbm>>
    %dma_wait3A_166 = tpu.memref_squeeze %dma_wait3A_165 : memref<1x80x64xf32, #tpu.memory_space<hbm>> -> memref<80x64xf32, #tpu.memory_space<hbm>>
    %dma_wait3A_167 = arith.constant 0 : i32
    %dma_wait3A_168 = arith.constant 0 : i32
    %dma_wait3A_169 = tpu.memref_slice %arg7[%dma_wait3A_153, %dma_wait3A_167, %dma_wait3A_168] : memref<4x128x64xf32, #tpu.memory_space<vmem>> -> memref<1x80x64xf32, #tpu.memory_space<vmem>>
    %dma_wait3A_170 = tpu.memref_squeeze %dma_wait3A_169 : memref<1x80x64xf32, #tpu.memory_space<vmem>> -> memref<80x64xf32, #tpu.memory_space<vmem>>
    tpu.wait_dma2 semaphore(%dma_wait3A_163 : memref<!tpu.dma_semaphore, #tpu.memory_space<semaphore_mem>>) src(%dma_wait3A_170 : memref<80x64xf32, #tpu.memory_space<vmem>>) dst(%dma_wait3A_166 : memref<80x64xf32, #tpu.memory_space<hbm>>)
    return
  }
}

module attributes {stable_mosaic.version = 14 : i64} {
  func.func @_mm_tanh_body(%arg0: i32, %arg1: memref<1000x128xf32, #tpu.memory_space<vmem>>, %arg2: memref<1000x128xf32, #tpu.memory_space<vmem>>, %arg3: memref<256x128xf32, #tpu.memory_space<vmem>>, %arg4: memref<1000x128xf32, #tpu.memory_space<vmem>>, %arg5: memref<1000x128xf32, #tpu.memory_space<vmem>>) attributes {dimension_semantics = [#tpu.dimension_semantics<arbitrary>], iteration_bounds = array<i64: 5>, scalar_prefetch = 0 : i64, scratch_operands = 0 : i64, tpu.core_type = #tpu.core_type<tc>, window_params = [{transform_indices = @transform_0, window_bounds = array<i64: 1000, 128>}, {transform_indices = @transform_1, window_bounds = array<i64: 1000, 128>}, {pipeline_mode = #tpu.pipeline_mode<synchronous>, transform_indices = @transform_2, window_bounds = array<i64: 256, 128>}, {transform_indices = @transform_3, window_bounds = array<i64: 1000, 128>}, {transform_indices = @transform_4, window_bounds = array<i64: 1000, 128>}]} {
    %get3A = arith.constant 0 : index
    %get3A_0 = arith.constant 0 : index
    %get3A_1 = vector.load %arg1[%get3A, %get3A_0] : memref<1000x128xf32, #tpu.memory_space<vmem>>, vector<1000x128xf32>
    %get3A_2 = arith.constant 0 : index
    %get3A_3 = arith.constant 0 : index
    %get3A_4 = vector.load %arg2[%get3A_2, %get3A_3] : memref<1000x128xf32, #tpu.memory_space<vmem>>, vector<1000x128xf32>
    %concatenate3A = tpu.concatenate %get3A_1, %get3A_4 in 1 : vector<1000x128xf32>, vector<1000x128xf32> -> vector<1000x256xf32>
    %get3A_5 = arith.constant 0 : index
    %get3A_6 = arith.constant 0 : index
    %get3A_7 = vector.load %arg3[%get3A_5, %get3A_6] : memref<256x128xf32, #tpu.memory_space<vmem>>, vector<256x128xf32>
    %dot_general3A = arith.constant dense<0.000000e+00> : vector<1000x128xf32>
    %dot_general3A_8 = tpu.matmul %concatenate3A, %get3A_7, %dot_general3A {dimension_numbers = #tpu.dot_dimension_numbers<[1], [0], [0], [1], [0, 0, 1, 1], [], []>, transpose_lhs_hint = false} : vector<1000x256xf32>, vector<256x128xf32>, vector<1000x128xf32> -> vector<1000x128xf32>
    %swap3A = arith.constant 0 : index
    %swap3A_9 = arith.constant 0 : index
    %swap3A_10 = vector.load %arg4[%swap3A, %swap3A_9] : memref<1000x128xf32, #tpu.memory_space<vmem>>, vector<1000x128xf32>
    tpu.vector_store %arg4[%swap3A, %swap3A_9], %dot_general3A_8 {strides = array<i32>} : memref<1000x128xf32, #tpu.memory_space<vmem>>, vector<1000x128xf32>,
    %tanh3A = math.tanh %dot_general3A_8 : vector<1000x128xf32>
    %swap3A_11 = arith.constant 0 : index
    %swap3A_12 = arith.constant 0 : index
    %swap3A_13 = vector.load %arg5[%swap3A_11, %swap3A_12] : memref<1000x128xf32, #tpu.memory_space<vmem>>, vector<1000x128xf32>
    tpu.vector_store %arg5[%swap3A_11, %swap3A_12], %tanh3A {strides = array<i32>} : memref<1000x128xf32, #tpu.memory_space<vmem>>, vector<1000x128xf32>,
    return
  }
  func.func @transform_0(%arg0: i32) -> (i32, i32) {
    %c0_i32 = arith.constant 0 : i32
    %c0_i32_0 = arith.constant 0 : i32
    return %arg0, %c0_i32 : i32, i32
  }
  func.func @transform_1(%arg0: i32) -> (i32, i32) {
    %add3A = arith.constant 5 : i32
    %add3A_0 = arith.addi %arg0, %add3A : i32
    %c0_i32 = arith.constant 0 : i32
    %c0_i32_1 = arith.constant 0 : i32
    return %add3A_0, %c0_i32 : i32, i32
  }
  func.func @transform_2(%arg0: i32) -> (i32, i32) {
    %c0_i32 = arith.constant 0 : i32
    %c0_i32_0 = arith.constant 0 : i32
    %c0_i32_1 = arith.constant 0 : i32
    return %c0_i32, %c0_i32_0 : i32, i32
  }
  func.func @transform_3(%arg0: i32) -> (i32, i32) {
    %c0_i32 = arith.constant 0 : i32
    %c0_i32_0 = arith.constant 0 : i32
    return %arg0, %c0_i32 : i32, i32
  }
  func.func @transform_4(%arg0: i32) -> (i32, i32) {
    %c0_i32 = arith.constant 0 : i32
    %c0_i32_0 = arith.constant 0 : i32
    return %arg0, %c0_i32 : i32, i32
  }
}

module attributes {stable_mosaic.version = 14 : i64} {
  func.func @_epilogue_body(%arg0: i32, %arg1: memref<2x1000x128xf32, #tpu.memory_space<vmem>>, %arg2: memref<1000x128xf32, #tpu.memory_space<vmem>>, %arg3: memref<128x128xf32, #tpu.memory_space<vmem>>, %arg4: memref<128x128xf32, #tpu.memory_space<vmem>>, %arg5: memref<2x1000x64xf32, #tpu.memory_space<vmem>>) attributes {dimension_semantics = [#tpu.dimension_semantics<arbitrary>], iteration_bounds = array<i64: 5>, scalar_prefetch = 0 : i64, scratch_operands = 0 : i64, tpu.core_type = #tpu.core_type<tc>, window_params = [{transform_indices = @transform_0, window_bounds = array<i64: 2, 1000, 128>}, {transform_indices = @transform_1, window_bounds = array<i64: 1000, 128>}, {pipeline_mode = #tpu.pipeline_mode<synchronous>, transform_indices = @transform_2, window_bounds = array<i64: 128, 128>}, {pipeline_mode = #tpu.pipeline_mode<synchronous>, transform_indices = @transform_3, window_bounds = array<i64: 128, 128>}, {transform_indices = @transform_4, window_bounds = array<i64: 2, 1000, 64>}]} {
    %get3A = arith.constant 0 : index
    %get3A_0 = arith.constant 0 : index
    %get3A_1 = arith.constant 0 : index
    %get3A_2 = vector.load %arg1[%get3A, %get3A_0, %get3A_1] : memref<2x1000x128xf32, #tpu.memory_space<vmem>>, vector<1x1000x128xf32>
    %get3A_3 = vector.shape_cast %get3A_2 : vector<1x1000x128xf32> to vector<1000x128xf32>
    %get3A_4 = arith.constant 1 : index
    %get3A_5 = arith.constant 0 : index
    %get3A_6 = arith.constant 0 : index
    %get3A_7 = vector.load %arg1[%get3A_4, %get3A_5, %get3A_6] : memref<2x1000x128xf32, #tpu.memory_space<vmem>>, vector<1x1000x128xf32>
    %get3A_8 = vector.shape_cast %get3A_7 : vector<1x1000x128xf32> to vector<1000x128xf32>
    %add3A = arith.addf %get3A_3, %get3A_8 : vector<1000x128xf32>
    %get3A_9 = arith.constant 0 : index
    %get3A_10 = arith.constant 0 : index
    %get3A_11 = vector.load %arg3[%get3A_9, %get3A_10] : memref<128x128xf32, #tpu.memory_space<vmem>>, vector<128x128xf32>
    %dot_general3A = arith.constant dense<0.000000e+00> : vector<1000x128xf32>
    %dot_general3A_12 = tpu.matmul %add3A, %get3A_11, %dot_general3A {dimension_numbers = #tpu.dot_dimension_numbers<[1], [0], [0], [1], [0, 0, 1, 1], [], []>, transpose_lhs_hint = false} : vector<1000x128xf32>, vector<128x128xf32>, vector<1000x128xf32> -> vector<1000x128xf32>
    %max3A = arith.constant 0.000000e+00 : f32
    %max3A_13 = vector.broadcast %max3A : f32 to vector<1000x128xf32>
    %max3A_14 = arith.maximumf %dot_general3A_12, %max3A_13 : vector<1000x128xf32>
    %get3A_15 = arith.constant 0 : index
    %get3A_16 = arith.constant 0 : index
    %get3A_17 = vector.load %arg4[%get3A_15, %get3A_16] : memref<128x128xf32, #tpu.memory_space<vmem>>, vector<128x128xf32>
    %dot_general3A_18 = arith.constant dense<0.000000e+00> : vector<1000x128xf32>
    %dot_general3A_19 = tpu.matmul %max3A_14, %get3A_17, %dot_general3A_18 {dimension_numbers = #tpu.dot_dimension_numbers<[1], [0], [0], [1], [0, 0, 1, 1], [], []>, transpose_lhs_hint = false} : vector<1000x128xf32>, vector<128x128xf32>, vector<1000x128xf32> -> vector<1000x128xf32>
    %max3A_20 = arith.constant 0.000000e+00 : f32
    %max3A_21 = vector.broadcast %max3A_20 : f32 to vector<1000x128xf32>
    %max3A_22 = arith.maximumf %dot_general3A_19, %max3A_21 : vector<1000x128xf32>
    %get3A_23 = arith.constant 0 : index
    %get3A_24 = arith.constant 0 : index
    %get3A_25 = vector.load %arg2[%get3A_23, %get3A_24] : memref<1000x128xf32, #tpu.memory_space<vmem>>, vector<1000x128xf32>
    %add3A_26 = arith.addf %get3A_25, %max3A_22 : vector<1000x128xf32>
    %tanh3A = math.tanh %add3A_26 : vector<1000x128xf32>
    %slice3A = vector.extract_strided_slice %tanh3A {offsets = [0, 0], sizes = [1000, 64], strides = [1, 1]} : vector<1000x128xf32> to vector<1000x64xf32>
    %swap3A = arith.constant 0 : index
    %swap3A_27 = arith.constant 0 : index
    %swap3A_28 = arith.constant 0 : index
    %swap3A_29 = vector.load %arg5[%swap3A, %swap3A_27, %swap3A_28] : memref<2x1000x64xf32, #tpu.memory_space<vmem>>, vector<1x1000x64xf32>
    %swap3A_30 = vector.shape_cast %swap3A_29 : vector<1x1000x64xf32> to vector<1000x64xf32>
    %swap3A_31 = vector.shape_cast %slice3A : vector<1000x64xf32> to vector<1x1000x64xf32>
    tpu.vector_store %arg5[%swap3A, %swap3A_27, %swap3A_28], %swap3A_31 {strides = array<i32>} : memref<2x1000x64xf32, #tpu.memory_space<vmem>>, vector<1x1000x64xf32>,
    %slice3A_32 = vector.extract_strided_slice %tanh3A {offsets = [0, 64], sizes = [1000, 64], strides = [1, 1]} : vector<1000x128xf32> to vector<1000x64xf32>
    %swap3A_33 = arith.constant 1 : index
    %swap3A_34 = arith.constant 0 : index
    %swap3A_35 = arith.constant 0 : index
    %swap3A_36 = vector.load %arg5[%swap3A_33, %swap3A_34, %swap3A_35] : memref<2x1000x64xf32, #tpu.memory_space<vmem>>, vector<1x1000x64xf32>
    %swap3A_37 = vector.shape_cast %swap3A_36 : vector<1x1000x64xf32> to vector<1000x64xf32>
    %swap3A_38 = vector.shape_cast %slice3A_32 : vector<1000x64xf32> to vector<1x1000x64xf32>
    tpu.vector_store %arg5[%swap3A_33, %swap3A_34, %swap3A_35], %swap3A_38 {strides = array<i32>} : memref<2x1000x64xf32, #tpu.memory_space<vmem>>, vector<1x1000x64xf32>,
    return
  }
  func.func @transform_0(%arg0: i32) -> (i32, i32, i32) {
    %c0_i32 = arith.constant 0 : i32
    %c0_i32_0 = arith.constant 0 : i32
    %c0_i32_1 = arith.constant 0 : i32
    return %c0_i32, %arg0, %c0_i32_0 : i32, i32, i32
  }
  func.func @transform_1(%arg0: i32) -> (i32, i32) {
    %c0_i32 = arith.constant 0 : i32
    %c0_i32_0 = arith.constant 0 : i32
    return %arg0, %c0_i32 : i32, i32
  }
  func.func @transform_2(%arg0: i32) -> (i32, i32) {
    %c0_i32 = arith.constant 0 : i32
    %c0_i32_0 = arith.constant 0 : i32
    %c0_i32_1 = arith.constant 0 : i32
    return %c0_i32, %c0_i32_0 : i32, i32
  }
  func.func @transform_3(%arg0: i32) -> (i32, i32) {
    %c0_i32 = arith.constant 0 : i32
    %c0_i32_0 = arith.constant 0 : i32
    %c0_i32_1 = arith.constant 0 : i32
    return %c0_i32, %c0_i32_0 : i32, i32
  }
  func.func @transform_4(%arg0: i32) -> (i32, i32, i32) {
    %c0_i32 = arith.constant 0 : i32
    %c0_i32_0 = arith.constant 0 : i32
    %c0_i32_1 = arith.constant 0 : i32
    return %c0_i32, %arg0, %c0_i32_0 : i32, i32, i32
  }
}

</mosaic_0001>

<sc_bundles>
// kernel: kernel.5.cloned.1.call-start
scs
__scs_entry_jumppad:
0x0: {  	(pc) =	sbr.rel $0x88, $3  }
0x1: {  	(tag) =	ssettag $0x0;
	lr =	simm.s32 $0x1  }
0x2: {  	[smem:$0x3F9C] =	sst lr;
	_ =	strace $0xD0000000  }
0x3: {  	_ = 	snop  }
0x4: {  	_ = 	snop  }
0x5: {  	_ = 	snop  }
0x6: {  	_ = 	snop  }
0x7: {  	_ = 	snop  }
__scs_overlays_trampoline_lowered:
0x8: {  	[smem:$0x3FAB] =	sst s0  }
0x9: {  	[smem:$0x3FAC] =	sst s1  }
0xa: {  	[smem:$0x3FAD] =	sst s2  }
0xb: {  	[smem:$0x3FAE] =	sst s3  }
0xc: {  	[smem:$0x3FAF] =	sst s4  }
0xd: {  	[smem:$0x3FB0] =	sst s5  }
0xe: {  	[smem:$0x3FB1] =	sst s6  }
0xf: {  	[smem:$0x3FB2] =	sst s7  }
0x10: {  	[smem:$0x3FB3] =	sst s8  }
0x11: {  	[smem:$0x3FB4] =	sst s9;
	s0 =	simm.s32 @!p0 $0x0  }
0x12: {  	s1 =	sld [smem:$0x3F9A];
	s0 =	simm.s32 @p0 $0x1  }
0x13: {  	[smem:$0x3FB5] =	sst s0;
	s0 =	simm.s32 @!p1 $0x0  }
0x14: {  	s2 =	sld [smem:$0x3F99];
	s0 =	simm.s32 @p1 $0x1  }
0x15: {  	[smem:$0x3FB6] =	sst s0;
	s0 =	simm.s32 @!p2 $0x0  }
0x16: {  	s3 =	sld [smem:$0x3FDB];
	s0 =	simm.s32 @p2 $0x1  }
0x17: {  	s4 =	simm.s32 $0x1BF5;
	[smem:$0x3FB8] =	sst s0  }
0x18: {  	s0 =	sld [smem:$0x3F9B];
	_ =	swait.ge [sflag:s4], $0x0  }
0x19: {  	s7 =	sld [smem:$0x3F9C]  }
0x1a: {  	s8 =	sadd.s32 $0xFFFFE003, lr  }
0x1b: {  	s9 =	sadd.s32 $0xFFFFFEF7, lr;
	s5 =	simm.s32 $0xFFFFFFFF;
	p2 =	slt.u32 s8, $0xFFFFF086  }
0x1c: {  	p1 =	slt.u32 s9, $0xF7A;
	s5 =	simm.s32 @!p2 $0x0  }
0x1d: {  	s5 =	simm.s32 @p1 $0x1;
	p0 =	seq.s32 s7, s2  }
0x1e: {  	s7 =	smul.u32 @!p0 $0xF7A, s2;
	p2 =	seq.s32 @!p0 s5, $0x0  }
0x1f: {  	s9 =	smul.u32 $0xF7A, s1;
	s8 =	simm.s32 @!p0 $0x1BF5;
	p2 =	por !p2, p0  }
0x20: {  	[sflag:s8] =	ssyncset.s32 @!p0 $0xFFFFF086;
	s6 =	sadd.s32 @!p0 s3, s7;
	s7 =	simm.s32 @!p0 $0x108  }
0x21: {  	s3 =	sadd.s32 s3, s9;
	s6 =	sadd.s32 @!p0 $0x88, s6;
	s7 =	simm.s32 @p2 $0x1082  }
0x22: {  	[simem:s7], [sflag:s8] =	dma.local @!p0 [hbm:s6], $0xF7A  }
0x23: {  	s9 =	sor.u32 $0xD0000000, s2;
	s6 =	simm.s32 $0x108;
	_ =	swait.ge @!p0 [sflag:s8], $0x0  }
0x24: {  	s3 =	sadd.s32 $0x88, s3;
	s6 =	simm.s32 @!p1 $0x1082;
	[sflag:s4] =	ssyncset.s32 $0xFFFFF086  }
0x25: {  	[simem:s6], [sflag:s4] =	dma.local [hbm:s3], $0xF7A  }
0x26: {  	[smem:$0x3F9C] =	sst s1;
	(tag) =	ssettag s2;
	_ =	strace s9  }
0x27: {  	s1 =	sld [smem:$0x3FAC]  }
0x28: {  	s2 =	sld [smem:$0x3FAD]  }
0x29: {  	s4 =	sld [smem:$0x3FAF]  }
0x2a: {  	p0 =	seq.s32 s5, $0x0;
	s5 =	sld [smem:$0x3FB0]  }
0x2b: {  	s6 =	sld [smem:$0x3FB1]  }
0x2c: {  	s7 =	sld [smem:$0x3FB2]  }
0x2d: {  	s3 =	simm.s32 $0x108;
	s8 =	sld [smem:$0x3FB3]  }
0x2e: {  	s3 =	simm.s32 @!p0 $0x1082;
	s9 =	sld [smem:$0x3FB4]  }
0x2f: {  	lr =	sadd.s32 s0, s3;
	s0 =	sld [smem:$0x3FAB]  }
0x30: {  	s3 =	sld [smem:$0x3FAE]  }
0x31: {  	[smem:$0x3FB7] =	sst s10  }
0x32: {  	s10 =	sld [smem:$0x3FB5];
	_ =	sdelay $0x3  }
0x33: {  	p0 =	seq.s32 s10, $0x1;
	s10 =	sld [smem:$0x3FB7];
	_ =	sdelay $0x3  }
0x34: {  	[smem:$0x3FB7] =	sst s10  }
0x35: {  	s10 =	sld [smem:$0x3FB6];
	_ =	sdelay $0x3  }
0x36: {  	p1 =	seq.s32 s10, $0x1;
	s10 =	sld [smem:$0x3FB7];
	_ =	sdelay $0x3  }
0x37: {  	[smem:$0x3FB7] =	sst s10  }
0x38: {  	s10 =	sld [smem:$0x3FB8]  }
0x39: {  	_ = 	snop;
	(pc) =	sbr.ind lr, $3  }
0x3a: {  	_ = 	snop  }
0x3b: {  	_ = 	snop  }
0x3c: {  	p2 =	seq.s32 s10, $0x1;
	s10 =	sld [smem:$0x3FB7]  }
0x3d: {  	_ =	shalt  }
0x3e: {  	_ =	shalt  }
0x3f: {  	_ =	shalt  }
0x40: {  	_ =	shalt  }
0x41: {  	_ =	shalt  }
0x42: {  	_ =	shalt  }
0x43: {  	_ =	shalt  }
0x44: {  	_ =	shalt  }
0x45: {  	_ =	shalt  }
0x46: {  	_ =	shalt  }
0x47: {  	_ =	shalt  }
0x48: {  	_ =	shalt  }
0x49: {  	_ =	shalt  }
0x4a: {  	_ =	shalt  }
0x4b: {  	_ =	shalt  }
0x4c: {  	_ =	shalt  }
0x4d: {  	_ =	shalt  }
0x4e: {  	_ =	shalt  }
0x4f: {  	_ =	shalt  }
0x50: {  	_ =	shalt  }
0x51: {  	_ =	shalt  }
0x52: {  	_ =	shalt  }
0x53: {  	_ =	shalt  }
0x54: {  	_ =	shalt  }
0x55: {  	_ =	shalt  }
0x56: {  	_ =	shalt  }
0x57: {  	_ =	shalt  }
0x58: {  	_ =	shalt  }
0x59: {  	_ =	shalt  }
0x5a: {  	_ =	shalt  }
0x5b: {  	_ =	shalt  }
0x5c: {  	_ =	shalt  }
0x5d: {  	_ =	shalt  }
0x5e: {  	_ =	shalt  }
0x5f: {  	_ =	shalt  }
0x60: {  	_ =	shalt  }
0x61: {  	_ =	shalt  }
0x62: {  	_ =	shalt  }
0x63: {  	_ =	shalt  }
0x64: {  	_ =	shalt  }
0x65: {  	_ =	shalt  }
0x66: {  	_ =	shalt  }
0x67: {  	_ =	shalt  }
0x68: {  	_ =	shalt  }
0x69: {  	_ =	shalt  }
0x6a: {  	_ =	shalt  }
0x6b: {  	_ =	shalt  }
0x6c: {  	_ =	shalt  }
0x6d: {  	_ =	shalt  }
0x6e: {  	_ =	shalt  }
0x6f: {  	_ =	shalt  }
0x70: {  	_ =	shalt  }
0x71: {  	_ =	shalt  }
0x72: {  	_ =	shalt  }
0x73: {  	_ =	shalt  }
0x74: {  	_ =	shalt  }
0x75: {  	_ =	shalt  }
0x76: {  	_ =	shalt  }
0x77: {  	_ =	shalt  }
0x78: {  	_ =	shalt  }
0x79: {  	_ =	shalt  }
0x7a: {  	_ =	shalt  }
0x7b: {  	_ =	shalt  }
0x7c: {  	_ =	shalt  }
0x7d: {  	_ =	shalt  }
0x7e: {  	_ =	shalt  }
0x7f: {  	_ =	shalt  }
0x80: {  	_ =	shalt  }
0x81: {  	_ =	shalt  }
0x82: {  	_ =	shalt  }
0x83: {  	_ =	shalt  }
0x84: {  	_ =	shalt  }
0x85: {  	_ =	shalt  }
0x86: {  	_ =	shalt  }
0x87: {  	_ =	shalt  }
.Lfunc_end0:
.L_simem_size_0:
called_computation_lowered:
.L_overlay_start_0:
0x88: {  	s2 =	sld [smem:$0x3FD9]  }
0x89: {  	s3 =	sld [smem:$0x3FFE];
	_ =	sdelay $0x1  }
0x8a: {  	s1 =	srdreg.scid  }
0x8b: {  	s0 =	sand.u32 $0x1, s1  }
0x8c: {  	s17 =	sshll.u32 s0, $0xA;
	s2 =	sadd.s32 s3, s2  }
0x8d: {  	s2 =	sadd.s32 s2, s17  }
0x8e: {  	[smem:$0x3FC3] =	sst s2  }
0x8f: {  	_ = 	snop  }
0x90: {  	s2 =	sld [smem:$0x3FD0];
	(tm) =	ssettm $0x1  }
0x91: {  	s18 =	sld [smem:$0x3FFB];
	_ =	sdelay $0x3  }
0x92: {  	_ =	strace s18  }
0x93: {  	s3 =	sld [smem:$0x3FFC];
	_ =	sdelay $0x3  }
0x94: {  	_ =	strace s3  }
0x95: {  	s3 =	sld [smem:$0x3FFD];
	_ =	sdelay $0x3  }
0x96: {  	_ =	strace s3  }
0x97: {  	_ =	strace $0x8FFFFFFF  }
0x98: {  	s19 =	sld [smem:$0x3FDB];
	_ =	sdelay $0x1  }
0x99: {  	s4 =	simm.s32 $_scs_section_size  }
0x9a: {  	s5 =	simm.s32 $_size__tile_overlayer_lowered;
	s6 =	simm.s32 $_tile_overlayer_lowered  }
0x9b: {  	s22 =	simm.s32 $0x1BFF;
	s21 =	sshll.u32 s6, $0x1;
	s3 =	sadd.s32 s4, s19  }
0x9c: {  	s7 =	simm.s32 $0x0;
	s20 =	sshll.u32 s5, $0x1;
	s5 =	sadd.s32 s21, s3  }
0x9d: {  	[timem:s7], [sflag:s22] =	dma.local [hbm:s5], s20  }
0x9e: {  	_ =	swait.ge [sflag:s22], s20  }
0x9f: {  	s4 =	ssub.s32 $0x0, s20;
	[sflag:s22] =	ssyncset.done $0x0  }
0xa0: {  	[sflag:s22] =	ssyncadd.s32 s4;
	_ =	sdelay $0x1  }
0xa1: {  	s23 =	simm.s32 $0x1B8B  }
0xa2: {  	_ =	swait.ge [sflag:s23], $0x1  }
0xa3: {  	[sflag:s23] =	ssyncset.done $0x0  }
0xa4: {  	s25 =	simm.s32 $0x1B8E;
	s24 =	sld [smem:$0x3FFE];
	[sflag:s23] =	ssyncadd.s32 $0xFFFFFFFF  }
0xa5: {  	s26 =	simm.s32 $execute0_lowered;
	[smem:$0x3FD2] =	sst s25  }
0xa6: {  	s5 =	sshll.u32 s26, $0x1;
	_ =	strace $0x80000046;
	[dreg:$0x1] =	wrdreg $0xFFFFFFFF  }
0xa7: {  	s28 =	simm.s32 $_size_execute0_lowered;
	s3 =	sadd.s32 s3, s5;
	[dreg:$0x0] =	wrdreg $0x0  }
0xa8: {  	s5 =	sshll.u32 s28, $0x1;
	[dreg:$0x2] =	wrdreg s3  }
0xa9: {  	[dreg:$0x3] =	wrdreg s5  }
0xaa: {  	[dreg:$0x4] =	wrdreg $0xC0  }
0xab: {  	_ =	task [dreg:s7], $0x5FFFF  }
0xac: {  	[dreg:$0x1] =	wrdreg $0xFFFFFFFF  }
0xad: {  	[dreg:$0x0] =	wrdreg $0x60  }
0xae: {  	[dreg:$0x2] =	wrdreg s2  }
0xaf: {  	[dreg:$0x3] =	wrdreg s24  }
0xb0: {  	[dreg:$0x4] =	wrdreg $0xEF000  }
0xb1: {  	[dreg:$0x5] =	wrdreg $0x9  }
0xb2: {  	_ =	task.clear_ibuf [dreg:s7], $0x6FFFF;
	_ =	strace $0x90000046  }
0xb3: {  	s29 =	simm.s32 $0x9;
	_ =	strace $0x80000048  }
0xb4: {  	_ =	swait.ge [sflag:s29], $0x1  }
0xb5: {  	[sflag:s29] =	ssyncadd.s32 $0xFFFFFFFF  }
0xb6: {  	_ =	strace $0x90000048  }
0xb7: {  	_ =	sfence  }
0xb8: {  	s30 =	sld [smem:$0x0];
	_ =	sdelay $0x2  }
0xb9: {  	s31 =	sshll.u32 s1, $0xD;
	s1 =	sshrl.u32 s1, $0x2  }
0xba: {  	s3 =	sand.u32 $0x4000, s31;
	s1 =	sadd.s32 s1, s30  }
0xbb: {  	s0 =	sor.u32 s3, s0;
	s1 =	sshll.u32 s1, $0x11  }
0xbc: {  	s0 =	sor.u32 s1, s0  }
0xbd: {  	s0 =	sadd.s32 $0x8F2B, s0  }
0xbe: {  	[sflag:s0] =	ssyncadd.remote.s32 $0x1  }
0xbf: {  	_ =	sfence.sel $0xFFFF  }
0xc0: {  	[dreg:$0x0] =	wrdreg $0xFFFFFFFF;
	(pc) =	sbr.abs _section_cstart, $3  }
0xc1: {  	[dreg:$0x1] =	wrdreg $0xFFFFFFFF  }
0xc2: {  	_ =	task.clear_ibuf [dreg:s7], $0x2FFFF;
	_ =	strace $0x9FFFFFFF  }
0xc3: {  	(tm) =	ssettm $0x7FFFFFFF  }
tec
execute0_lowered:
.L_overlay_start_1:
0x0: {  	(tag) =	ssettag $0x1  }
0x1: {  	s1 =	rddreg [dreg:$0x0]  }
0x2: {  	s0 =	rddreg [dreg:$0x1]  }
0x3: {  	s2 =	srdreg.scid;
	s17 =	stileid.u32  }
0x4: {  	s3 =	rddreg [dreg:$0x2];
	s4 =	simm.s32 $0x0;
	s30 =	simm.s32 $0x7  }
0x5: {  	s31 =	simm.s32 $0x6F00;
	s2 =	sand.u32 $0x1, s2;
	s5 =	sshll.u32 s17, $0x1  }
0x6: {  	[smem:$0x7FF] =	sst s4;
	s8 =	sadd.s32 $0x15200, s0;
	s22 =	smul.u32 $0x28000, s17  }
0x7: {  	s10 =	smul.u32 $0xA000, s17;
	p0 =	slt.u32 s17, $0xE;
	p1 =	seq.s32 s17, $0xF  }
0x8: {  	s5 =	sor.u32 s2, s5;
	s7 =	ssub.s32 $0x2, s2;
	s2 =	smul.u32 $0x9C400, s2  }
0x9: {  	_ =	strace $0x80000047;
	s6 =	smul.u32 $0x4E, s5;
	s5 =	smax.u32 s5, $0x1C  }
0xa: {  	s9 =	sshrl.u32 s7, $0x1;
	s23 =	sshrl.u32 s22, $0x2;
	s12 =	sadd.s32 $0x5000, s10  }
0xb: {  	s18 =	sadd.s32 $0x6400, s10;
	s20 =	sadd.s32 $0x7800, s10;
	s9 =	ssub.s32 s7, s9  }
0xc: {  	s24 =	sadd.s32 s2, s10;
	s7 =	sadd.s32 s23, s3;
	s14 =	sadd.s32 s2, s12  }
0xd: {  	s19 =	sadd.s32 s2, s18;
	s5 =	sadd.s32 s6, s5;
	s25 =	sshrl.u32 s24, $0x3  }
0xe: {  	s15 =	sshrl.u32 s14, $0x3;
	s22 =	sadd.s32 $0x2000, s7;
	s23 =	smax.u32 s9, $0x1  }
0xf: {  	s24 =	sadd.s32 s10, s3;
	s28 =	sadd.s32 $0x6000, s7;
	s29 =	sadd.s32 $0x8000, s7  }
0x10: {  	s9 =	simm.s32 $0x1;
	s14 =	simm.s32 $0x6;
	[dreg:$0xe] =	wrdreg s22  }
0x11: {  	s5 =	sshll.u32 s5, $0x4;
	s16 =	sadd.s32 s8, s15;
	[dreg:$0xf] =	wrdreg s23  }
0x12: {  	s15 =	sadd.s32 $0x8C00, s10;
	[dreg:$0x10] =	wrdreg s24;
	s22 =	sadd.s32 s12, s3  }
0x13: {  	s23 =	sadd.s32 s18, s3;
	s24 =	sadd.s32 s20, s3;
	s0 =	sadd.s32 s0, s5  }
0x14: {  	s12 =	simm.s32 $0x4;
	[dreg:$0xa] =	wrdreg s16;
	s5 =	sadd.s32 $0x1640, s0  }
0x15: {  	s16 =	sadd.s32 s2, s20;
	s0 =	sadd.s32 $0xB280, s0;
	[dreg:$0x4] =	wrdreg s5  }
0x16: {  	[dreg:$0x5] =	wrdreg s0;
	s0 =	sor.u32 $0x1400, s10;
	s5 =	sadd.s32 s8, s25  }
0x17: {  	s21 =	sshrl.u32 s16, $0x3;
	s11 =	sadd.s32 s2, s0;
	[dreg:$0x6] =	wrdreg s5  }
0x18: {  	s0 =	sadd.s32 s0, s3;
	s5 =	simm.s32 $0x8F00;
	s26 =	sshrl.u32 s11, $0x3  }
0x19: {  	s11 =	sadd.s32 $0x2800, s10;
	[dreg:$0x11] =	wrdreg s0;
	s0 =	simm.s32 $0x4F00  }
0x1a: {  	s6 =	sadd.s32 s8, s26;
	s25 =	sadd.s32 s2, s11;
	s26 =	sadd.s32 $0x3C00, s10  }
0x1b: {  	s10 =	simm.s32 $0x2;
	[dreg:$0x7] =	wrdreg s6;
	s6 =	sshrl.u32 s25, $0x3  }
0x1c: {  	s13 =	sadd.s32 s2, s26;
	s2 =	sadd.s32 s2, s15;
	s25 =	sadd.s32 s11, s3  }
0x1d: {  	s26 =	sadd.s32 s26, s3;
	s11 =	simm.s32 $0x3;
	s6 =	sadd.s32 s8, s6  }
0x1e: {  	s13 =	sshrl.u32 s13, $0x3;
	s2 =	sshrl.u32 s2, $0x3;
	[dreg:$0x12] =	wrdreg s25  }
0x1f: {  	[dreg:$0x13] =	wrdreg s26;
	s25 =	sadd.s32 s15, s3;
	s26 =	sadd.s32 $0x4000, s7  }
0x20: {  	s15 =	simm.s32 $0x0;
	[dreg:$0x8] =	wrdreg s6;
	s6 =	sadd.s32 s8, s13  }
0x21: {  	s13 =	sshrl.u32 s19, $0x3;
	s2 =	sadd.s32 s8, s2;
	[dreg:$0x9] =	wrdreg s6  }
0x22: {  	s13 =	sadd.s32 s8, s13;
	[dreg:$0xd] =	wrdreg s2;
	s2 =	simm.s32 $0x80  }
0x23: {  	s6 =	simm.s32 $0xAF00;
	[dreg:$0xb] =	wrdreg s13;
	s13 =	sadd.s32 s8, s21  }
0x24: {  	v0 =	vimm.f32 $0.0e+00;
	s8 =	simm.s32 $0xCF00;
	[dreg:$0xc] =	wrdreg s13;
	s13 =	simm.s32 $0x5  }
.LBB2_1:
0x25: {  	s16 =	rddreg [dreg:$0x4]  }
0x26: {  	[tilespmem:s4], [sflag:$0x7] =	stream.linear.gather [hbm4b:s16+s4], $0x2780, $0x38;
	[tilespmem:$0x18F00] =	vst v63  }
0x27: {  	_ =	swait.ge [sflag:s30], $0x2780  }
0x28: {  	[sflag:s30] =	ssyncset.done $0x0  }
0x29: {  	s17 =	simm.s32 $0x2780;
	s21 =	rddreg [dreg:$0x5];
	[sflag:s30] =	ssyncadd.s32 $0xFFFFD880  }
0x2a: {  	[tilespmem:s17], [sflag:$0x7] =	stream.linear.gather [hbm4b:s21+s4], $0x2780, $0x38;
	[tilespmem:$0x18F00] =	vst v63  }
0x2b: {  	_ =	swait.ge [sflag:s30], $0x2780  }
0x2c: {  	[sflag:s30] =	ssyncset.done $0x0  }
0x2d: {  	[sflag:s30] =	ssyncadd.s32 $0xFFFFD880  }
0x2e: {  	[tilespmem:s0], [sflag:$0x1] =	stream.indirect.gather [hbm4b:s1+s2], $0x40, s4, s2, $0xb8;
	[tilespmem:$0x18F00] =	vst v63  }
0x2f: {  	_ = 	snop  }
0x30: {  	[tilespmem:s31], [sflag:$0x2] =	stream.indirect.gather [hbm4b:s1+s2], $0x40, s2, s2, $0xb8;
	[tilespmem:$0x18F00] =	vst v63  }
0x31: {  	s18 =	simm.s32 $0x100;
	s20 =	sand.u32 $0x7F00, s4  }
0x32: {  	[tilespmem:s5], [sflag:$0x3] =	stream.indirect.gather [hbm4b:s1+s2], $0x40, s18, s2, $0xb8;
	[tilespmem:$0x18F00] =	vst v63  }
0x33: {  	s19 =	simm.s32 $0x180;
	s21 =	sand.u32 $0x30, s4;
	s18 =	sshrl.u32 s20, $0x2  }
0x34: {  	s16 =	simm.s32 $0x40;
	s17 =	simm.s32 $0x0;
	s18 =	sor.u32 s21, s18  }
0x35: {  	[tilespmem:s6], [sflag:$0x4] =	stream.indirect.gather [hbm4b:s1+s2], $0x40, s19, s2, $0xb8;
	[tilespmem:$0x18F00] =	vst v63  }
.LBB2_2:
0x36: {  	p2 =	sne.s32 s16, $0x7FC0  }
0x37: {  	[tilespmem:s18+$0xCF00] =	vst v0;
	s17 =	sadd.s32 $0x10, s17;
	s18 =	smov.u32 s16;
	s16 =	sadd.s32 $0x40, s16  }
.Ltmp0:
0x38: {  	(pc) =	sbr.rel @p2 .LBB2_2-.Ltmp0, $4  }
0x39: {  	_ = 	snop  }
0x3a: {  	s18 =	sand.u32 $0x7F00, s18  }
0x3b: {  	s19 =	sand.u32 $0x30, s17;
	s18 =	sshrl.u32 s18, $0x2  }
0x3c: {  	s18 =	sor.u32 s19, s18  }
0x3d: {  	[tilespmem:s18+$0xCF00] =	vst v0  }
0x3e: {  	[spmem:s7] =	stream.linear.scatter [tilespmem:s8], [sflag:$0x7], $0x2000, $0x38;
	[tilespmem:$0x18F00] =	vst v63  }
0x3f: {  	_ =	swait.ge [sflag:s30], $0x2000  }
0x40: {  	[sflag:s30] =	ssyncset.done $0x0  }
0x41: {  	s16 =	rddreg [dreg:$0xe];
	[sflag:s30] =	ssyncadd.s32 $0xFFFFE000  }
0x42: {  	[spmem:s16] =	stream.linear.scatter [tilespmem:s8], [sflag:$0x7], $0x2000, $0x38;
	[tilespmem:$0x18F00] =	vst v63  }
0x43: {  	_ =	swait.ge [sflag:s30], $0x2000  }
0x44: {  	[sflag:s30] =	ssyncset.done $0x0  }
0x45: {  	[sflag:s30] =	ssyncadd.s32 $0xFFFFE000  }
0x46: {  	[spmem:s26] =	stream.linear.scatter [tilespmem:s8], [sflag:$0x7], $0x2000, $0x38;
	[tilespmem:$0x18F00] =	vst v63  }
0x47: {  	_ =	swait.ge [sflag:s30], $0x2000  }
0x48: {  	[sflag:s30] =	ssyncset.done $0x0  }
0x49: {  	[sflag:s30] =	ssyncadd.s32 $0xFFFFE000  }
0x4a: {  	[spmem:s28] =	stream.linear.scatter [tilespmem:s8], [sflag:$0x7], $0x2000, $0x38;
	[tilespmem:$0x18F00] =	vst v63  }
0x4b: {  	_ =	swait.ge [sflag:s30], $0x2000  }
0x4c: {  	[sflag:s30] =	ssyncset.done $0x0  }
0x4d: {  	[sflag:s30] =	ssyncadd.s32 $0xFFFFE000  }
0x4e: {  	[spmem:s29] =	stream.linear.scatter [tilespmem:s8], [sflag:$0x7], $0x2000, $0x38;
	[tilespmem:$0x18F00] =	vst v63  }
0x4f: {  	_ =	swait.ge [sflag:s30], $0x2000  }
0x50: {  	[sflag:s30] =	ssyncset.done $0x0  }
0x51: {  	[sflag:s30] =	ssyncadd.s32 $0xFFFFE000  }
0x52: {  	[bflag:$0x0] =	sbarrier.arrive $0xFFFF  }
0x53: {  	_ =	swait.ge [sflag:s9], $0x2000  }
0x54: {  	[sflag:s9] =	ssyncset.done $0x0  }
0x55: {  	s20 =	simm.s32 $0x2780;
	[sflag:s9] =	ssyncadd.s32 $0xFFFFE000  }
0x56: {  	[spmem:s3] =	stream.indirect.scatter.add.f32 [tilespmem:s0], [sflag:$0x7], $0x40, s20, s2, $0xb8;
	[tilespmem:$0x18F00] =	vst v63  }
0x57: {  	_ =	swait.ge [sflag:s30], $0x2000  }
0x58: {  	[sflag:s30] =	ssyncset.done $0x0  }
0x59: {  	s21 =	simm.s32 $0x200;
	[sflag:s30] =	ssyncadd.s32 $0xFFFFE000  }
0x5a: {  	[tilespmem:s0], [sflag:$0x1] =	stream.indirect.gather [hbm4b:s1+s2], $0x40, s21, s2, $0xb8;
	[tilespmem:$0x18F00] =	vst v63  }
0x5b: {  	_ =	swait.ge [sflag:s10], $0x2000  }
0x5c: {  	[sflag:s10] =	ssyncset.done $0x0  }
0x5d: {  	s17 =	simm.s32 $0x2800;
	[sflag:s10] =	ssyncadd.s32 $0xFFFFE000  }
0x5e: {  	[spmem:s3] =	stream.indirect.scatter.add.f32 [tilespmem:s31], [sflag:$0x7], $0x40, s17, s2, $0xb8;
	[tilespmem:$0x18F00] =	vst v63  }
0x5f: {  	_ =	swait.ge [sflag:s30], $0x2000  }
0x60: {  	[sflag:s30] =	ssyncset.done $0x0  }
0x61: {  	s18 =	simm.s32 $0x280;
	[sflag:s30] =	ssyncadd.s32 $0xFFFFE000  }
0x62: {  	[tilespmem:s31], [sflag:$0x2] =	stream.indirect.gather [hbm4b:s1+s2], $0x40, s18, s2, $0xb8;
	[tilespmem:$0x18F00] =	vst v63  }
0x63: {  	_ =	swait.ge [sflag:s11], $0x2000  }
0x64: {  	[sflag:s11] =	ssyncset.done $0x0  }
0x65: {  	s19 =	simm.s32 $0x2880;
	[sflag:s11] =	ssyncadd.s32 $0xFFFFE000  }
0x66: {  	[spmem:s3] =	stream.indirect.scatter.add.f32 [tilespmem:s5], [sflag:$0x7], $0x40, s19, s2, $0xb8;
	[tilespmem:$0x18F00] =	vst v63  }
0x67: {  	_ =	swait.ge [sflag:s30], $0x2000  }
0x68: {  	[sflag:s30] =	ssyncset.done $0x0  }
0x69: {  	s20 =	simm.s32 $0x300;
	[sflag:s30] =	ssyncadd.s32 $0xFFFFE000  }
0x6a: {  	[tilespmem:s5], [sflag:$0x3] =	stream.indirect.gather [hbm4b:s1+s2], $0x40, s20, s2, $0xb8;
	[tilespmem:$0x18F00] =	vst v63  }
0x6b: {  	_ =	swait.ge [sflag:s12], $0x2000  }
0x6c: {  	[sflag:s12] =	ssyncset.done $0x0  }
0x6d: {  	s21 =	simm.s32 $0x2900;
	[sflag:s12] =	ssyncadd.s32 $0xFFFFE000  }
0x6e: {  	[spmem:s3] =	stream.indirect.scatter.add.f32 [tilespmem:s6], [sflag:$0x7], $0x40, s21, s2, $0xb8;
	[tilespmem:$0x18F00] =	vst v63  }
0x6f: {  	_ =	swait.ge [sflag:s30], $0x2000  }
0x70: {  	[sflag:s30] =	ssyncset.done $0x0  }
0x71: {  	s16 =	simm.s32 $0x800;
	s17 =	simm.s32 $0x380;
	[sflag:s30] =	ssyncadd.s32 $0xFFFFE000  }
.LBB2_4:
0x72: {  	[tilespmem:s6], [sflag:$0x4] =	stream.indirect.gather [hbm4b:s1+s2], $0x40, s17, s2, $0xb8;
	[tilespmem:$0x18F00] =	vst v63  }
0x73: {  	s17 =	smov.u32 s16  }
0x74: {  	p2 =	sne.s32 s16, $0x8800;
	s16 =	sadd.s32 $0x800, s16;
	_ =	swait.ge [sflag:s9], $0x2000  }
0x75: {  	s17 =	sshra.s32 s17, $0x2;
	[sflag:s9] =	ssyncset.done $0x0  }
0x76: {  	s18 =	sadd.s32 $0x2780, s17;
	[sflag:s9] =	ssyncadd.s32 $0xFFFFE000  }
0x77: {  	[spmem:s3] =	stream.indirect.scatter.add.f32 [tilespmem:s0], [sflag:$0x7], $0x40, s18, s2, $0xb8;
	[tilespmem:$0x18F00] =	vst v63  }
0x78: {  	_ =	swait.ge [sflag:s30], $0x2000  }
0x79: {  	[sflag:s30] =	ssyncset.done $0x0  }
0x7a: {  	s18 =	sadd.s32 $0x200, s17;
	[sflag:s30] =	ssyncadd.s32 $0xFFFFE000  }
0x7b: {  	[tilespmem:s0], [sflag:$0x1] =	stream.indirect.gather [hbm4b:s1+s2], $0x40, s18, s2, $0xb8;
	[tilespmem:$0x18F00] =	vst v63  }
0x7c: {  	_ =	swait.ge [sflag:s10], $0x2000  }
0x7d: {  	[sflag:s10] =	ssyncset.done $0x0  }
0x7e: {  	s18 =	sadd.s32 $0x2800, s17;
	[sflag:s10] =	ssyncadd.s32 $0xFFFFE000  }
0x7f: {  	[spmem:s3] =	stream.indirect.scatter.add.f32 [tilespmem:s31], [sflag:$0x7], $0x40, s18, s2, $0xb8;
	[tilespmem:$0x18F00] =	vst v63  }
0x80: {  	_ =	swait.ge [sflag:s30], $0x2000  }
0x81: {  	[sflag:s30] =	ssyncset.done $0x0  }
0x82: {  	s18 =	sadd.s32 $0x280, s17;
	[sflag:s30] =	ssyncadd.s32 $0xFFFFE000  }
0x83: {  	[tilespmem:s31], [sflag:$0x2] =	stream.indirect.gather [hbm4b:s1+s2], $0x40, s18, s2, $0xb8;
	[tilespmem:$0x18F00] =	vst v63  }
0x84: {  	_ =	swait.ge [sflag:s11], $0x2000  }
0x85: {  	[sflag:s11] =	ssyncset.done $0x0  }
0x86: {  	s18 =	sadd.s32 $0x2880, s17;
	[sflag:s11] =	ssyncadd.s32 $0xFFFFE000  }
0x87: {  	[spmem:s3] =	stream.indirect.scatter.add.f32 [tilespmem:s5], [sflag:$0x7], $0x40, s18, s2, $0xb8;
	[tilespmem:$0x18F00] =	vst v63  }
0x88: {  	_ =	swait.ge [sflag:s30], $0x2000  }
0x89: {  	[sflag:s30] =	ssyncset.done $0x0  }
0x8a: {  	s18 =	sadd.s32 $0x300, s17;
	[sflag:s30] =	ssyncadd.s32 $0xFFFFE000  }
0x8b: {  	[tilespmem:s5], [sflag:$0x3] =	stream.indirect.gather [hbm4b:s1+s2], $0x40, s18, s2, $0xb8;
	[tilespmem:$0x18F00] =	vst v63  }
0x8c: {  	_ =	swait.ge [sflag:s12], $0x2000  }
0x8d: {  	[sflag:s12] =	ssyncset.done $0x0  }
.Ltmp1:
0x8e: {  	s18 =	sadd.s32 $0x2900, s17;
	[sflag:s12] =	ssyncadd.s32 $0xFFFFE000;
	(pc) =	sbr.rel @p2 .LBB2_4-.Ltmp1, $4  }
0x8f: {  	[spmem:s3] =	stream.indirect.scatter.add.f32 [tilespmem:s6], [sflag:$0x7], $0x40, s18, s2, $0xb8;
	[tilespmem:$0x18F00] =	vst v63  }
0x90: {  	_ =	swait.ge [sflag:s30], $0x2000  }
0x91: {  	[sflag:s30] =	ssyncset.done $0x0  }
0x92: {  	s17 =	sadd.s32 $0x380, s17;
	[sflag:s30] =	ssyncadd.s32 $0xFFFFE000  }
0x93: {  	[tilespmem:s6], [sflag:$0x4] =	stream.indirect.gather [hbm4b:s1+s2], $0x40, s17, s2, $0xb8;
	[tilespmem:$0x18F00] =	vst v63  }
0x94: {  	_ =	swait.ge [sflag:s9], $0x2000  }
0x95: {  	[sflag:s9] =	ssyncset.done $0x0  }
0x96: {  	s16 =	simm.s32 $0x4B80;
	[sflag:s9] =	ssyncadd.s32 $0xFFFFE000  }
0x97: {  	[spmem:s3] =	stream.indirect.scatter.add.f32 [tilespmem:s0], [sflag:$0x7], $0x40, s16, s2, $0xb8;
	[tilespmem:$0x18F00] =	vst v63  }
0x98: {  	_ =	swait.ge [sflag:s30], $0x2000  }
0x99: {  	[sflag:s30] =	ssyncset.done $0x0  }
0x9a: {  	s20 =	simm.s32 $0x2600;
	[sflag:s30] =	ssyncadd.s32 $0xFFFFE000  }
0x9b: {  	[tilespmem:s0], [sflag:$0x1] =	stream.indirect.gather [hbm4b:s1+s2], $0x40, s20, s2, $0xb8;
	[tilespmem:$0x18F00] =	vst v63  }
0x9c: {  	_ =	swait.ge [sflag:s10], $0x2000  }
0x9d: {  	[sflag:s10] =	ssyncset.done $0x0  }
0x9e: {  	s21 =	simm.s32 $0x4C00;
	[sflag:s10] =	ssyncadd.s32 $0xFFFFE000  }
0x9f: {  	[spmem:s3] =	stream.indirect.scatter.add.f32 [tilespmem:s31], [sflag:$0x7], $0x40, s21, s2, $0xb8;
	[tilespmem:$0x18F00] =	vst v63  }
0xa0: {  	_ =	swait.ge [sflag:s30], $0x2000  }
0xa1: {  	[sflag:s30] =	ssyncset.done $0x0  }
0xa2: {  	s17 =	simm.s32 $0x2680;
	[sflag:s30] =	ssyncadd.s32 $0xFFFFE000  }
0xa3: {  	[tilespmem:s31], [sflag:$0x2] =	stream.indirect.gather [hbm4b:s1+s2], $0x40, s17, s2, $0xb8;
	[tilespmem:$0x18F00] =	vst v63  }
0xa4: {  	_ =	swait.ge [sflag:s11], $0x2000  }
0xa5: {  	[sflag:s11] =	ssyncset.done $0x0  }
0xa6: {  	s18 =	simm.s32 $0x4C80;
	[sflag:s11] =	ssyncadd.s32 $0xFFFFE000  }
0xa7: {  	[spmem:s3] =	stream.indirect.scatter.add.f32 [tilespmem:s5], [sflag:$0x7], $0x40, s18, s2, $0xb8;
	[tilespmem:$0x18F00] =	vst v63  }
0xa8: {  	_ =	swait.ge [sflag:s30], $0x2000  }
0xa9: {  	s16 =	simm.s32 @!p0 $0x80;
	[sflag:s30] =	ssyncset.done $0x0  }
0xaa: {  	s17 =	simm.s32 @!p0 $0x2700;
	s18 =	simm.s32 @!p0 $0x8F00;
	[sflag:s30] =	ssyncadd.s32 $0xFFFFE000  }
0xab: {  	[tilespmem:s18], [sflag:$0x3] =	stream.indirect.gather @!p0 [hbm4b:s1+s16], $0x40, s17, s16, $0xb8;
	[tilespmem:$0x18F00] =	vst v63  }
0xac: {  	_ =	swait.ge [sflag:s12], $0x2000  }
0xad: {  	[sflag:s12] =	ssyncset.done $0x0  }
0xae: {  	s19 =	simm.s32 $0x4D00;
	[sflag:s12] =	ssyncadd.s32 $0xFFFFE000  }
0xaf: {  	[spmem:s3] =	stream.indirect.scatter.add.f32 [tilespmem:s6], [sflag:$0x7], $0x40, s19, s2, $0xb8;
	[tilespmem:$0x18F00] =	vst v63  }
0xb0: {  	_ =	swait.ge [sflag:s30], $0x2000  }
0xb1: {  	[sflag:s30] =	ssyncset.done $0x0  }
0xb2: {  	[sflag:s30] =	ssyncadd.s32 $0xFFFFE000  }
0xb3: {  	_ =	swait.ge [sflag:s9], $0x2000  }
0xb4: {  	[sflag:s9] =	ssyncset.done $0x0  }
0xb5: {  	s20 =	simm.s32 $0x4D80;
	[sflag:s9] =	ssyncadd.s32 $0xFFFFE000  }
0xb6: {  	[spmem:s3] =	stream.indirect.scatter.add.f32 [tilespmem:s0], [sflag:$0x7], $0x40, s20, s2, $0xb8;
	[tilespmem:$0x18F00] =	vst v63  }
0xb7: {  	_ =	swait.ge [sflag:s30], $0x2000  }
0xb8: {  	[sflag:s30] =	ssyncset.done $0x0  }
0xb9: {  	[sflag:s30] =	ssyncadd.s32 $0xFFFFE000  }
0xba: {  	_ =	swait.ge [sflag:s10], $0x2000  }
0xbb: {  	[sflag:s10] =	ssyncset.done $0x0  }
0xbc: {  	s21 =	simm.s32 $0x4E00;
	[sflag:s10] =	ssyncadd.s32 $0xFFFFE000  }
0xbd: {  	[spmem:s3] =	stream.indirect.scatter.add.f32 [tilespmem:s31], [sflag:$0x7], $0x40, s21, s2, $0xb8;
	[tilespmem:$0x18F00] =	vst v63  }
0xbe: {  	_ =	swait.ge [sflag:s30], $0x2000  }
0xbf: {  	[sflag:s30] =	ssyncset.done $0x0  }
0xc0: {  	s17 =	simm.s32 @!p0 $0x3;
	[sflag:s30] =	ssyncadd.s32 $0xFFFFE000  }
0xc1: {  	_ =	swait.ge @!p0 [sflag:s17], $0x2000  }
0xc2: {  	[sflag:s17] =	ssyncset.done @!p0 $0x0  }
0xc3: {  	[sflag:s17] =	ssyncadd.s32 @!p0 $0xFFFFE000;
	s17 =	simm.s32 @!p0 $0x4E80  }
0xc4: {  	[spmem:s3] =	stream.indirect.scatter.add.f32 @!p0 [tilespmem:s18], [sflag:$0x7], $0x40, s17, s16, $0xb8;
	[tilespmem:$0x18F00] =	vst v63  }
0xc5: {  	s16 =	simm.s32 @!p0 $0x7  }
0xc6: {  	_ =	swait.ge @!p0 [sflag:s16], $0x2000  }
0xc7: {  	[sflag:s16] =	ssyncset.done @!p0 $0x0  }
0xc8: {  	[sflag:s16] =	ssyncadd.s32 @!p0 $0xFFFFE000  }
0xc9: {  	[bflag:$0x0] =	sbarrier.arrive $0xFFFF  }
0xca: {  	s17 =	rddreg [dreg:$0x10]  }
0xcb: {  	[tilespmem:s0], [sflag:$0x7] =	stream.linear.gather [spmem:s17], $0x1400, $0x38;
	[tilespmem:$0x18F00] =	vst v63  }
0xcc: {  	_ =	swait.ge [sflag:s30], $0x1400  }
0xcd: {  	[sflag:s30] =	ssyncset.done $0x0  }
0xce: {  	s18 =	rddreg [dreg:$0x6];
	[sflag:s30] =	ssyncadd.s32 $0xFFFFEC00  }
0xcf: {  	[hbm4b:s18+s4] =	stream.linear.scatter [tilespmem:s0], [sflag:$0x5], $0x1400, $0x38;
	[tilespmem:$0x18F00] =	vst v63  }
0xd0: {  	s19 =	rddreg [dreg:$0x11]  }
0xd1: {  	[tilespmem:s31], [sflag:$0x7] =	stream.linear.gather [spmem:s19], $0x1400, $0x38;
	[tilespmem:$0x18F00] =	vst v63  }
0xd2: {  	_ =	swait.ge [sflag:s30], $0x1400  }
0xd3: {  	[sflag:s30] =	ssyncset.done $0x0  }
0xd4: {  	s20 =	rddreg [dreg:$0x7];
	[sflag:s30] =	ssyncadd.s32 $0xFFFFEC00  }
0xd5: {  	[hbm4b:s20+s4] =	stream.linear.scatter [tilespmem:s31], [sflag:$0x6], $0x1400, $0x38;
	[tilespmem:$0x18F00] =	vst v63  }
0xd6: {  	_ =	swait.ge [sflag:s13], $0x1400  }
0xd7: {  	[sflag:s13] =	ssyncset.done $0x0  }
0xd8: {  	s21 =	rddreg [dreg:$0x12];
	[sflag:s13] =	ssyncadd.s32 $0xFFFFEC00  }
0xd9: {  	[tilespmem:s0], [sflag:$0x7] =	stream.linear.gather [spmem:s21], $0x1400, $0x38;
	[tilespmem:$0x18F00] =	vst v63  }
0xda: {  	_ =	swait.ge [sflag:s30], $0x1400  }
0xdb: {  	[sflag:s30] =	ssyncset.done $0x0  }
0xdc: {  	s17 =	rddreg [dreg:$0x8];
	[sflag:s30] =	ssyncadd.s32 $0xFFFFEC00  }
0xdd: {  	[hbm4b:s17+s4] =	stream.linear.scatter [tilespmem:s0], [sflag:$0x5], $0x1400, $0x38;
	[tilespmem:$0x18F00] =	vst v63  }
0xde: {  	_ =	swait.ge [sflag:s14], $0x1400  }
0xdf: {  	[sflag:s14] =	ssyncset.done $0x0  }
0xe0: {  	s18 =	rddreg [dreg:$0x13];
	[sflag:s14] =	ssyncadd.s32 $0xFFFFEC00  }
0xe1: {  	[tilespmem:s31], [sflag:$0x7] =	stream.linear.gather [spmem:s18], $0x1400, $0x38;
	[tilespmem:$0x18F00] =	vst v63  }
0xe2: {  	_ =	swait.ge [sflag:s30], $0x1400  }
0xe3: {  	[sflag:s30] =	ssyncset.done $0x0  }
0xe4: {  	s19 =	rddreg [dreg:$0x9];
	[sflag:s30] =	ssyncadd.s32 $0xFFFFEC00  }
0xe5: {  	[hbm4b:s19+s4] =	stream.linear.scatter [tilespmem:s31], [sflag:$0x6], $0x1400, $0x38;
	[tilespmem:$0x18F00] =	vst v63  }
0xe6: {  	_ =	swait.ge [sflag:s13], $0x1400  }
0xe7: {  	[sflag:s13] =	ssyncset.done $0x0  }
0xe8: {  	[sflag:s13] =	ssyncadd.s32 $0xFFFFEC00  }
0xe9: {  	[tilespmem:s0], [sflag:$0x7] =	stream.linear.gather [spmem:s22], $0x1400, $0x38;
	[tilespmem:$0x18F00] =	vst v63  }
0xea: {  	_ =	swait.ge [sflag:s30], $0x1400  }
0xeb: {  	[sflag:s30] =	ssyncset.done $0x0  }
0xec: {  	s16 =	simm.s32 @!p1 $0x6;
	s20 =	rddreg [dreg:$0xa];
	[sflag:s30] =	ssyncadd.s32 $0xFFFFEC00  }
0xed: {  	[hbm4b:s20+s4] =	stream.linear.scatter [tilespmem:s0], [sflag:$0x5], $0x1400, $0x38;
	[tilespmem:$0x18F00] =	vst v63  }
0xee: {  	_ =	swait.ge @!p1 [sflag:s16], $0x1400  }
0xef: {  	[sflag:s16] =	ssyncset.done @!p1 $0x0  }
0xf0: {  	s17 =	simm.s32 @!p1 $0x6F00;
	s18 =	simm.s32 @!p1 $0x7;
	[sflag:s16] =	ssyncadd.s32 @!p1 $0xFFFFEC00  }
0xf1: {  	[tilespmem:s17], [sflag:$0x7] =	stream.linear.gather @!p1 [spmem:s23], $0x1400, $0x38;
	[tilespmem:$0x18F00] =	vst v63  }
0xf2: {  	_ =	swait.ge @!p1 [sflag:s18], $0x1400  }
0xf3: {  	[sflag:s18] =	ssyncset.done @!p1 $0x0  }
0xf4: {  	s19 =	simm.s32 @!p1 $0x0;
	s20 =	rddreg [dreg:$0xb];
	[sflag:s18] =	ssyncadd.s32 @!p1 $0xFFFFEC00  }
0xf5: {  	[hbm4b:s20+s19] =	stream.linear.scatter @!p1 [tilespmem:s17], [sflag:$0x6], $0x1400, $0x38;
	[tilespmem:$0x18F00] =	vst v63  }
0xf6: {  	s20 =	simm.s32 @!p1 $0x5  }
0xf7: {  	_ =	swait.ge @!p1 [sflag:s20], $0x1400  }
0xf8: {  	[sflag:s20] =	ssyncset.done @!p1 $0x0  }
0xf9: {  	[sflag:s20] =	ssyncadd.s32 @!p1 $0xFFFFEC00;
	s20 =	simm.s32 @!p1 $0x4F00  }
0xfa: {  	[tilespmem:s20], [sflag:$0x7] =	stream.linear.gather @!p1 [spmem:s24], $0x1400, $0x38;
	[tilespmem:$0x18F00] =	vst v63  }
0xfb: {  	_ =	swait.ge @!p1 [sflag:s18], $0x1400  }
0xfc: {  	[sflag:s18] =	ssyncset.done @!p1 $0x0  }
0xfd: {  	s21 =	rddreg [dreg:$0xc];
	[sflag:s18] =	ssyncadd.s32 @!p1 $0xFFFFEC00  }
0xfe: {  	[hbm4b:s21+s19] =	stream.linear.scatter @!p1 [tilespmem:s20], [sflag:$0x5], $0x1400, $0x38;
	[tilespmem:$0x18F00] =	vst v63  }
0xff: {  	_ =	swait.ge @!p1 [sflag:s16], $0x1400  }
0x100: {  	[sflag:s16] =	ssyncset.done @!p1 $0x0  }
0x101: {  	[sflag:s16] =	ssyncadd.s32 @!p1 $0xFFFFEC00  }
0x102: {  	[tilespmem:s17], [sflag:$0x7] =	stream.linear.gather @!p1 [spmem:s25], $0x1400, $0x38;
	[tilespmem:$0x18F00] =	vst v63  }
0x103: {  	_ =	swait.ge @!p1 [sflag:s18], $0x1400  }
0x104: {  	[sflag:s18] =	ssyncset.done @!p1 $0x0  }
0x105: {  	s16 =	rddreg [dreg:$0xd];
	[sflag:s18] =	ssyncadd.s32 @!p1 $0xFFFFEC00  }
0x106: {  	[hbm4b:s16+s19] =	stream.linear.scatter @!p1 [tilespmem:s17], [sflag:$0x6], $0x1400, $0x38;
	[tilespmem:$0x18F00] =	vst v63  }
0x107: {  	_ =	swait.ge [sflag:s13], $0x1400  }
0x108: {  	[sflag:s13] =	ssyncset.done $0x0  }
0x109: {  	[sflag:s13] =	ssyncadd.s32 $0xFFFFEC00  }
0x10a: {  	_ =	swait.ge [sflag:s14], $0x1400  }
0x10b: {  	s15 =	sadd.s32 $0x1, s15;
	s21 =	rddreg [dreg:$0xf]  }
0x10c: {  	p2 =	sne.s32 s15, s21  }
.Ltmp2:
0x10d: {  	_ = 	snop;
	(pc) =	sbr.rel @p2 .LBB2_1-.Ltmp2, $3  }
0x10e: {  	_ =	sdelay $0x1  }
0x10f: {  	[sflag:s14] =	ssyncset.done $0x0  }
0x110: {  	[sflag:s14] =	ssyncadd.s32 $0xFFFFEC00  }
0x111: {  	_ =	sfence.sel $0x180000  }
0x112: {  	[bflag:$0x0] =	sbarrier.arrive $0xFFFF  }
0x113: {  	_ =	strace $0x90000047  }
0x114: {  	s0 =	stileid.u32;
	[bflag:$0x2] =	sbarrier.arrive $0xFFFF  }
0x115: {  	p0 =	sne.s32 s0, $0x0;
	s0 =	rddreg [dreg:$0x3]  }
0x116: {  	s0 =	sadd.s32 @!p0 $0x100000, s0  }
0x117: {  	[sflag:s0] =	ssyncadd.tile.s32 @!p0 $0x1;
	_ =	shalt  }
.Lfunc_end2:
_tile_overlayer_lowered:
.L_overlay_start_2:
0x118: {  	(tag) =	ssettag $0x2  }
0x119: {  	s0 =	rddreg [dreg:$0x0];
	s2 =	stileid.u32  }
0x11a: {  	s1 =	rddreg [dreg:$0x1];
	p0 =	sne.s32 s2, $0x0  }
0x11b: {  	s3 =	rddreg [dreg:$0x2];
	[bflag:$0x3] =	sbarrier.arrive $0xFFFF;
	s2 =	simm.s32 @!p0 $0x1C07  }
0x11c: {  	[timem:s3], [sflag:s2] =	dma.local @!p0 [hbm:s0], s1  }
0x11d: {  	s0 =	simm.s32 @!p0 $0x7  }
0x11e: {  	_ =	swait.ge @!p0 [sflag:s0], s1  }
0x11f: {  	s1 =	ssub.s32 @!p0 $0x0, s1;
	[sflag:s0] =	ssyncset.done @!p0 $0x0  }
0x120: {  	[sflag:s0] =	ssyncadd.s32 @!p0 s1  }
0x121: {  	[bflag:$0x3] =	sbarrier.arrive $0xFFFF  }
0x122: {  	_ =	shalt  }

</sc_bundles>
